<compile_context>
chip_gen: v7x
topology: tpu7x:2x2x1
jax: 0.10.2.dev20260603
libtpu: 0.0.44.dev20260713+nightly
codegen_flags: <defaults>
</compile_context>

<pallas_src>
import functools

import jax
import jax.numpy as jnp
from jax import lax
from jax.experimental import pallas as pl
from jax.experimental.pallas import tpu as pltpu
from jax.experimental.pallas import tpu_sc as plsc

_EPS = 1e-12

_NC = 2
_NS = 16
_NW = _NC * _NS


def _table_body(dt_ref, pt_ref, wd_ref, wp_ref, bd_ref, bp_ref,
                g_ref, b_ref, o_ref):
    i = pl.program_id(0)
    isdrug = i == 0
    x = jnp.where(isdrug, dt_ref[...], pt_ref[...])
    w = jnp.where(isdrug, wd_ref[...], wp_ref[...])
    bias = jnp.where(isdrug, bd_ref[...], bp_ref[...])
    y = lax.dot_general(x, w, (((1,), (1,)), ((), ())),
                        preferred_element_type=jnp.float32) + bias
    m = jnp.mean(y, axis=-1, keepdims=True)
    yc = y - m
    v = jnp.mean(yc * yc, axis=-1, keepdims=True)
    o_ref[...] = yc * lax.rsqrt(v + _EPS) * g_ref[...] + b_ref[...]


def _finish_table(drug_table, protein_table, W_drug, W_prot,
                  b_drug, b_prot, g, b):
    nd, h = drug_table.shape
    np_, _ = protein_table.shape
    blk = nd
    n_out = nd + np_
    full = lambda shape: pl.BlockSpec(shape, lambda i: tuple(0 for _ in shape))
    return pl.pallas_call(
        _table_body,
        grid=(n_out // blk,),
        in_specs=[
            full((blk, h)),
            pl.BlockSpec((blk, h), lambda i: (jnp.maximum(i - 1, 0), 0)),
            full((h, h)),
            full((h, h)),
            full((1, h)),
            full((1, h)),
            full((1, h)),
            full((1, h)),
        ],
        out_specs=pl.BlockSpec((blk, h), lambda i: (i, 0)),
        out_shape=jax.ShapeDtypeStruct((n_out, h), jnp.float32),
    )(drug_table, protein_table, W_drug, W_prot,
      b_drug.reshape(1, h), b_prot.reshape(1, h),
      g.reshape(1, h), b.reshape(1, h))


def _make_sc_gather(B, n, h):
    bpw = B // _NW
    CB = 8
    n_chunks = bpw // CB
    chunk_rows = CB * n
    sub = [128] * (chunk_rows // 128)
    if chunk_rows % 128:
        sub.append(chunk_rows % 128)

    mesh = plsc.VectorSubcoreMesh(core_axis_name="c", subcore_axis_name="s")

    @functools.partial(
        pl.kernel,
        out_type=jax.ShapeDtypeStruct((B, n, h), jnp.float32),
        mesh=mesh,
        scratch_types=[
            pltpu.VMEM((chunk_rows,), jnp.int32),
            pltpu.VMEM((chunk_rows, h), jnp.float32),
            pltpu.VMEM((chunk_rows,), jnp.int32),
            pltpu.VMEM((chunk_rows, h), jnp.float32),
            pltpu.SemaphoreType.DMA,
            pltpu.SemaphoreType.DMA,
            pltpu.SemaphoreType.DMA,
            pltpu.SemaphoreType.DMA,
        ],
    )
    def gather_k(tab, cidx, out3, idx_a, row_a, idx_b, row_b,
                 gsem_a, gsem_b, ssem_a, ssem_b):
        wid = lax.axis_index("s") * _NC + lax.axis_index("c")
        slot_a = (idx_a, row_a, gsem_a, ssem_a)
        slot_b = (idx_b, row_b, gsem_b, ssem_b)

        def fire(c, slot):
            idx_v, row_v, gsem, _ = slot
            b0 = wid * bpw + c * CB
            pltpu.sync_copy(cidx.at[pl.ds(b0 * n, chunk_rows)], idx_v)
            o = 0
            for s in sub:
                pltpu.async_copy(tab.at[idx_v.at[pl.ds(o, s)]],
                                 row_v.at[pl.ds(o, s)], gsem)
                o += s

        def drain_gathers(slot):
            idx_v, row_v, gsem, _ = slot
            o = 0
            for s in sub:
                pltpu.make_async_copy(tab.at[pl.ds(0, s)],
                                      row_v.at[pl.ds(o, s)], gsem).wait()
                o += s

        def fire_stores(c, slot):
            _, row_v, _, ssem = slot
            b0 = wid * bpw + c * CB
            for k in range(CB):
                pltpu.async_copy(row_v.at[pl.ds(k * n, n)],
                                 out3.at[b0 + k], ssem)

        def drain_stores(slot):
            _, row_v, _, ssem = slot
            for k in range(CB):
                pltpu.make_async_copy(row_v.at[pl.ds(k * n, n)],
                                      out3.at[0], ssem).wait()

        def half(c, cur, nxt):
            drain_gathers(cur)

            @pl.when(c >= 1)
            def _():
                drain_stores(nxt)

            @pl.when(c + 1 < n_chunks)
            def _():
                fire(c + 1, nxt)

            fire_stores(c, cur)

        def pair(p, _):
            half(2 * p, slot_a, slot_b)
            half(2 * p + 1, slot_b, slot_a)
            return 0

        fire(0, slot_a)
        lax.fori_loop(0, n_chunks // 2, pair, 0)
        drain_stores(slot_b)

    return gather_k


def _relay_body(x_ref, o_ref):
    bb, n, h = o_ref.shape
    o_ref[...] = x_ref[...].reshape(bb, n, h)


def _relayout(rows, B, n, h, bb):
    return pl.pallas_call(
        _relay_body,
        grid=(B // bb,),
        in_specs=[pl.BlockSpec((bb * n, h), lambda i: (i, 0))],
        out_specs=pl.BlockSpec((bb, n, h), lambda i: (i, 0, 0)),
        out_shape=jax.ShapeDtypeStruct((B, n, h), jnp.float32),
    )(rows)


def kernel(drug_comb_ids, protein_ids, weights, drug_table, protein_table,
           W_drug, b_drug, W_prot, b_prot, protein_weight_embedding,
           ln_gamma, ln_beta):
    B, ld = drug_comb_ids.shape
    lp = protein_ids.shape[1]
    h = W_prot.shape[0]
    nd = drug_table.shape[0]

    finished = _finish_table(drug_table, protein_table, W_drug, W_prot,
                             b_drug, b_prot, ln_gamma, ln_beta)
    cidx = jnp.concatenate([drug_comb_ids, protein_ids + nd],
                           axis=1).reshape(-1)
    gather = _make_sc_gather(B, ld + lp, h)
    return gather(finished, cidx)

# --- scband reference (transcript-rebuilt; emitter-appended) ---
"""Pipeline reference for scband-drug-protein-embedding-layer-40338332844825 (READ-ONLY COPY).

The authoritative reference and input builder live on the scoring server;
editing this copy changes nothing except your own understanding.
"""

import jax, jax.numpy as jnp
import numpy as np

B = 4096
LD = 2
LP = 50
DRUG_VOCAB = 1000
PROT_VOCAB = 100000
DH = 128
PH = 128
H = 128
EPS = 1e-12


def setup_inputs(seed: int = 0) -> dict:
    key = jax.random.key(seed)
    ks = jax.random.split(key, 12)
    return {
        "drug_comb_ids": jax.random.randint(ks[0], (B, LD), 0, DRUG_VOCAB, dtype=jnp.int32),
        "protein_ids": jax.random.randint(ks[1], (B, LP), 0, PROT_VOCAB, dtype=jnp.int32),
        "weights": jax.random.uniform(ks[2], (B, LP), dtype=jnp.float32),
        "drug_table": jax.random.normal(ks[3], (DRUG_VOCAB, DH), dtype=jnp.float32) * 0.02,
        "protein_table": jax.random.normal(ks[4], (PROT_VOCAB, PH), dtype=jnp.float32) * 0.02,
        "W_drug": jax.random.normal(ks[5], (H, DH), dtype=jnp.float32) * (1.0 / np.sqrt(DH)),
        "b_drug": jnp.zeros((H,), dtype=jnp.float32),
        "W_prot": jax.random.normal(ks[6], (H, PH), dtype=jnp.float32) * (1.0 / np.sqrt(PH)),
        "b_prot": jnp.zeros((H,), dtype=jnp.float32),
        "protein_weight_embedding": jnp.ones((1, H), dtype=jnp.float32),
        "ln_gamma": jnp.ones((H,), dtype=jnp.float32),
        "ln_beta": jnp.zeros((H,), dtype=jnp.float32),
    }


def reference(drug_comb_ids, protein_ids, weights, drug_table, protein_table,
              W_drug, b_drug, W_prot, b_prot, protein_weight_embedding,
              ln_gamma, ln_beta):
    # embedding lookups (SparseCore gathers)
    drug_embs = jnp.take(drug_table, drug_comb_ids, axis=0)          # [B, LD, DH]
    prot_embs = jnp.take(protein_table, protein_ids, axis=0)        # [B, LP, PH]
    # linear projections (torch Linear: x @ W.T + b)
    drug_proj = jnp.einsum('bld,hd->blh', drug_embs, W_drug) + b_drug
    prot_proj = jnp.einsum('blp,hp->blh', prot_embs, W_prot) + b_prot
    # weighted protein-weight embedding
    w = weights[:, :, None]                                          # [B, LP, 1]
    prot_proj = prot_proj + w * protein_weight_embedding.reshape(1, 1, -1)
    # concat along sequence dim
    emb = jnp.concatenate([drug_proj, prot_proj], axis=1)            # [B, LD+LP, H]
    # layer norm over last dim
    mean = jnp.mean(emb, axis=-1, keepdims=True)
    var = jnp.var(emb, axis=-1, keepdims=True)
    emb = (emb - mean) / jnp.sqrt(var + EPS)
    emb = emb * ln_gamma + ln_beta
    # dropout is identity in eval mode
    return emb

if __name__ == "__main__":
    import jax
    _d = setup_inputs()
    print(jax.jit(kernel)(*tuple(_d.values())))

</pallas_src>

<mosaic_0001>
#map = affine_map<(d0, d1) -> (0, 0)>
#map1 = affine_map<(d0, d1) -> (0)>
#map2 = affine_map<(d0, d1) -> (0, 0, 0)>
module attributes {stable_mosaic.version = 14 : i64} {
  func.func @gather_k(%arg0: i32, %arg1: i32, %arg2: memref<101000x128xf32, #tpu.memory_space<hbm>>, %arg3: memref<212992xi32, #tpu.memory_space<hbm>>, %arg4: memref<4096x52x128xf32, #tpu.memory_space<hbm>>, %arg5: memref<416xi32, #tpu.memory_space<vmem>>, %arg6: memref<416x128xf32, #tpu.memory_space<vmem>>, %arg7: memref<416xi32, #tpu.memory_space<vmem>>, %arg8: memref<416x128xf32, #tpu.memory_space<vmem>>, %arg9: memref<!tpu.dma_semaphore, #tpu.memory_space<semaphore_mem>>, %arg10: memref<!tpu.dma_semaphore, #tpu.memory_space<semaphore_mem>>, %arg11: memref<!tpu.dma_semaphore, #tpu.memory_space<semaphore_mem>>, %arg12: memref<!tpu.dma_semaphore, #tpu.memory_space<semaphore_mem>>) attributes {dimension_semantics = [#tpu.dimension_semantics<core_parallel>, #tpu.dimension_semantics<subcore_parallel>], iteration_bounds = array<i64: 2, 16>, scalar_prefetch = 0 : i64, scratch_operands = 8 : i64, tpu.core_type = #tpu.core_type<sc_vector_subcore>, window_params = [{transform_indices = #map}, {transform_indices = #map1}, {transform_indices = #map2}]} {
    %mul3A = arith.constant 2 : i32
    %mul3A_0 = arith.muli %arg1, %mul3A : i32
    %add3A = arith.addi %mul3A_0, %arg0 : i32
    %mul3A_1 = arith.constant 128 : i32
    %mul3A_2 = arith.muli %add3A, %mul3A_1 : i32
    %add3A_3 = arith.constant 0 : i32
    %add3A_4 = arith.addi %mul3A_2, %add3A_3 : i32
    %mul3A_5 = arith.constant 52 : i32
    %mul3A_6 = arith.muli %add3A_4, %mul3A_5 : i32
    "tpu.region"() ({
      %run_scoped3A = tpu.sem_alloc : memref<!tpu.dma_semaphore, #tpu.memory_space<semaphore_mem>>
      %dma_start3A_163 = tpu.memref_slice %arg3[%mul3A_6] : memref<212992xi32, #tpu.memory_space<hbm>> -> memref<416xi32, #tpu.memory_space<hbm>>
      %dma_start3A_164 = tpu.memref_slice %arg3[%mul3A_6] : memref<212992xi32, #tpu.memory_space<hbm>> -> memref<416xi32, #tpu.memory_space<hbm>>
      tpu.enqueue_dma source(%dma_start3A_164 : memref<416xi32, #tpu.memory_space<hbm>>) target(%arg5 : memref<416xi32, #tpu.memory_space<vmem>>) target_semaphore(%run_scoped3A : memref<!tpu.dma_semaphore, #tpu.memory_space<semaphore_mem>>)
      %dma_wait3A_165 = tpu.memref_slice %arg3[%mul3A_6] : memref<212992xi32, #tpu.memory_space<hbm>> -> memref<416xi32, #tpu.memory_space<hbm>>
      %dma_wait3A_166 = tpu.memref_slice %arg3[%mul3A_6] : memref<212992xi32, #tpu.memory_space<hbm>> -> memref<416xi32, #tpu.memory_space<hbm>>
      tpu.wait_dma2 semaphore(%run_scoped3A : memref<!tpu.dma_semaphore, #tpu.memory_space<semaphore_mem>>) src(%dma_wait3A_166 : memref<416xi32, #tpu.memory_space<hbm>>) dst(%arg5 : memref<416xi32, #tpu.memory_space<vmem>>)
      tpu.yield
    }) : () -> ()
    %dma_start3A = arith.constant 0 : i32
    %dma_start3A_7 = arith.constant 0 : i32
    %dma_start3A_8 = tpu.memref_slice %arg6[%dma_start3A, %dma_start3A_7] : memref<416x128xf32, #tpu.memory_space<vmem>> -> memref<128x128xf32, #tpu.memory_space<vmem>>
    %dma_start3A_9 = arith.constant 0 : i32
    %dma_start3A_10 = tpu.memref_slice %arg5[%dma_start3A_9] : memref<416xi32, #tpu.memory_space<vmem>> -> memref<128xi32, #tpu.memory_space<vmem>>
    %dma_start3A_11 = arith.constant 0 : i32
    %dma_start3A_12 = arith.constant 0 : i32
    %dma_start3A_13 = tpu.memref_slice %arg2[%dma_start3A_11, %dma_start3A_12] : memref<101000x128xf32, #tpu.memory_space<hbm>> -> memref<101000x128xf32, #tpu.memory_space<hbm>>
    tpu.enqueue_indirect_dma source(%dma_start3A_13 : memref<101000x128xf32, #tpu.memory_space<hbm>>) target(%dma_start3A_8 : memref<128x128xf32, #tpu.memory_space<vmem>>) offsets(%dma_start3A_10 : memref<128xi32, #tpu.memory_space<vmem>>) semaphore(%arg9 : memref<!tpu.dma_semaphore, #tpu.memory_space<semaphore_mem>>)
    %dma_start3A_14 = arith.constant 128 : i32
    %dma_start3A_15 = arith.constant 0 : i32
    %dma_start3A_16 = tpu.memref_slice %arg6[%dma_start3A_14, %dma_start3A_15] : memref<416x128xf32, #tpu.memory_space<vmem>> -> memref<128x128xf32, #tpu.memory_space<vmem>>
    %dma_start3A_17 = arith.constant 128 : i32
    %dma_start3A_18 = tpu.memref_slice %arg5[%dma_start3A_17] : memref<416xi32, #tpu.memory_space<vmem>> -> memref<128xi32, #tpu.memory_space<vmem>>
    %dma_start3A_19 = arith.constant 0 : i32
    %dma_start3A_20 = arith.constant 0 : i32
    %dma_start3A_21 = tpu.memref_slice %arg2[%dma_start3A_19, %dma_start3A_20] : memref<101000x128xf32, #tpu.memory_space<hbm>> -> memref<101000x128xf32, #tpu.memory_space<hbm>>
    tpu.enqueue_indirect_dma source(%dma_start3A_21 : memref<101000x128xf32, #tpu.memory_space<hbm>>) target(%dma_start3A_16 : memref<128x128xf32, #tpu.memory_space<vmem>>) offsets(%dma_start3A_18 : memref<128xi32, #tpu.memory_space<vmem>>) semaphore(%arg9 : memref<!tpu.dma_semaphore, #tpu.memory_space<semaphore_mem>>)
    %dma_start3A_22 = arith.constant 256 : i32
    %dma_start3A_23 = arith.constant 0 : i32
    %dma_start3A_24 = tpu.memref_slice %arg6[%dma_start3A_22, %dma_start3A_23] : memref<416x128xf32, #tpu.memory_space<vmem>> -> memref<128x128xf32, #tpu.memory_space<vmem>>
    %dma_start3A_25 = arith.constant 256 : i32
    %dma_start3A_26 = tpu.memref_slice %arg5[%dma_start3A_25] : memref<416xi32, #tpu.memory_space<vmem>> -> memref<128xi32, #tpu.memory_space<vmem>>
    %dma_start3A_27 = arith.constant 0 : i32
    %dma_start3A_28 = arith.constant 0 : i32
    %dma_start3A_29 = tpu.memref_slice %arg2[%dma_start3A_27, %dma_start3A_28] : memref<101000x128xf32, #tpu.memory_space<hbm>> -> memref<101000x128xf32, #tpu.memory_space<hbm>>
    tpu.enqueue_indirect_dma source(%dma_start3A_29 : memref<101000x128xf32, #tpu.memory_space<hbm>>) target(%dma_start3A_24 : memref<128x128xf32, #tpu.memory_space<vmem>>) offsets(%dma_start3A_26 : memref<128xi32, #tpu.memory_space<vmem>>) semaphore(%arg9 : memref<!tpu.dma_semaphore, #tpu.memory_space<semaphore_mem>>)
    %dma_start3A_30 = arith.constant 384 : i32
    %dma_start3A_31 = arith.constant 0 : i32
    %dma_start3A_32 = tpu.memref_slice %arg6[%dma_start3A_30, %dma_start3A_31] : memref<416x128xf32, #tpu.memory_space<vmem>> -> memref<32x128xf32, #tpu.memory_space<vmem>>
    %dma_start3A_33 = arith.constant 384 : i32
    %dma_start3A_34 = tpu.memref_slice %arg5[%dma_start3A_33] : memref<416xi32, #tpu.memory_space<vmem>> -> memref<32xi32, #tpu.memory_space<vmem>>
    %dma_start3A_35 = arith.constant 0 : i32
    %dma_start3A_36 = arith.constant 0 : i32
    %dma_start3A_37 = tpu.memref_slice %arg2[%dma_start3A_35, %dma_start3A_36] : memref<101000x128xf32, #tpu.memory_space<hbm>> -> memref<101000x128xf32, #tpu.memory_space<hbm>>
    tpu.enqueue_indirect_dma source(%dma_start3A_37 : memref<101000x128xf32, #tpu.memory_space<hbm>>) target(%dma_start3A_32 : memref<32x128xf32, #tpu.memory_space<vmem>>) offsets(%dma_start3A_34 : memref<32xi32, #tpu.memory_space<vmem>>) semaphore(%arg9 : memref<!tpu.dma_semaphore, #tpu.memory_space<semaphore_mem>>)
    %scan3A = arith.constant 0 : i32
    %scan3A_38 = arith.constant 0 : i32
    %scan3A_39 = arith.constant 8 : i32
    %scan3A_40 = arith.addi %scan3A_38, %scan3A_39 : i32
    %scan3A_41 = arith.constant 1 : i32
    %scan3A_42 = scf.for %scan3A_163 = %scan3A_38 to %scan3A_40 step %scan3A_41 iter_args(%scan3A_164 = %scan3A) -> (i32)  : i32 {
      %mul3A_165 = arith.constant 2 : i32
      %mul3A_166 = arith.muli %mul3A_165, %scan3A_163 : i32
      %dma_wait3A_167 = arith.constant 0 : i32
      %dma_wait3A_168 = arith.constant 0 : i32
      %dma_wait3A_169 = tpu.memref_slice %arg6[%dma_wait3A_167, %dma_wait3A_168] : memref<416x128xf32, #tpu.memory_space<vmem>> -> memref<128x128xf32, #tpu.memory_space<vmem>>
      %dma_wait3A_170 = arith.constant 0 : i32
      %dma_wait3A_171 = arith.constant 0 : i32
      %dma_wait3A_172 = tpu.memref_slice %arg2[%dma_wait3A_170, %dma_wait3A_171] : memref<101000x128xf32, #tpu.memory_space<hbm>> -> memref<128x128xf32, #tpu.memory_space<hbm>>
      %dma_wait3A_173 = arith.constant 0 : i32
      %dma_wait3A_174 = arith.constant 0 : i32
      %dma_wait3A_175 = tpu.memref_slice %arg6[%dma_wait3A_173, %dma_wait3A_174] : memref<416x128xf32, #tpu.memory_space<vmem>> -> memref<128x128xf32, #tpu.memory_space<vmem>>
      %dma_wait3A_176 = arith.constant 0 : i32
      %dma_wait3A_177 = arith.constant 0 : i32
      %dma_wait3A_178 = tpu.memref_slice %arg2[%dma_wait3A_176, %dma_wait3A_177] : memref<101000x128xf32, #tpu.memory_space<hbm>> -> memref<128x128xf32, #tpu.memory_space<hbm>>
      tpu.wait_dma2 semaphore(%arg9 : memref<!tpu.dma_semaphore, #tpu.memory_space<semaphore_mem>>) src(%dma_wait3A_178 : memref<128x128xf32, #tpu.memory_space<hbm>>) dst(%dma_wait3A_175 : memref<128x128xf32, #tpu.memory_space<vmem>>)
      %dma_wait3A_179 = arith.constant 128 : i32
      %dma_wait3A_180 = arith.constant 0 : i32
      %dma_wait3A_181 = tpu.memref_slice %arg6[%dma_wait3A_179, %dma_wait3A_180] : memref<416x128xf32, #tpu.memory_space<vmem>> -> memref<128x128xf32, #tpu.memory_space<vmem>>
      %dma_wait3A_182 = arith.constant 0 : i32
      %dma_wait3A_183 = arith.constant 0 : i32
      %dma_wait3A_184 = tpu.memref_slice %arg2[%dma_wait3A_182, %dma_wait3A_183] : memref<101000x128xf32, #tpu.memory_space<hbm>> -> memref<128x128xf32, #tpu.memory_space<hbm>>
      %dma_wait3A_185 = arith.constant 128 : i32
      %dma_wait3A_186 = arith.constant 0 : i32
      %dma_wait3A_187 = tpu.memref_slice %arg6[%dma_wait3A_185, %dma_wait3A_186] : memref<416x128xf32, #tpu.memory_space<vmem>> -> memref<128x128xf32, #tpu.memory_space<vmem>>
      %dma_wait3A_188 = arith.constant 0 : i32
      %dma_wait3A_189 = arith.constant 0 : i32
      %dma_wait3A_190 = tpu.memref_slice %arg2[%dma_wait3A_188, %dma_wait3A_189] : memref<101000x128xf32, #tpu.memory_space<hbm>> -> memref<128x128xf32, #tpu.memory_space<hbm>>
      tpu.wait_dma2 semaphore(%arg9 : memref<!tpu.dma_semaphore, #tpu.memory_space<semaphore_mem>>) src(%dma_wait3A_190 : memref<128x128xf32, #tpu.memory_space<hbm>>) dst(%dma_wait3A_187 : memref<128x128xf32, #tpu.memory_space<vmem>>)
      %dma_wait3A_191 = arith.constant 256 : i32
      %dma_wait3A_192 = arith.constant 0 : i32
      %dma_wait3A_193 = tpu.memref_slice %arg6[%dma_wait3A_191, %dma_wait3A_192] : memref<416x128xf32, #tpu.memory_space<vmem>> -> memref<128x128xf32, #tpu.memory_space<vmem>>
      %dma_wait3A_194 = arith.constant 0 : i32
      %dma_wait3A_195 = arith.constant 0 : i32
      %dma_wait3A_196 = tpu.memref_slice %arg2[%dma_wait3A_194, %dma_wait3A_195] : memref<101000x128xf32, #tpu.memory_space<hbm>> -> memref<128x128xf32, #tpu.memory_space<hbm>>
      %dma_wait3A_197 = arith.constant 256 : i32
      %dma_wait3A_198 = arith.constant 0 : i32
      %dma_wait3A_199 = tpu.memref_slice %arg6[%dma_wait3A_197, %dma_wait3A_198] : memref<416x128xf32, #tpu.memory_space<vmem>> -> memref<128x128xf32, #tpu.memory_space<vmem>>
      %dma_wait3A_200 = arith.constant 0 : i32
      %dma_wait3A_201 = arith.constant 0 : i32
      %dma_wait3A_202 = tpu.memref_slice %arg2[%dma_wait3A_200, %dma_wait3A_201] : memref<101000x128xf32, #tpu.memory_space<hbm>> -> memref<128x128xf32, #tpu.memory_space<hbm>>
      tpu.wait_dma2 semaphore(%arg9 : memref<!tpu.dma_semaphore, #tpu.memory_space<semaphore_mem>>) src(%dma_wait3A_202 : memref<128x128xf32, #tpu.memory_space<hbm>>) dst(%dma_wait3A_199 : memref<128x128xf32, #tpu.memory_space<vmem>>)
      %dma_wait3A_203 = arith.constant 384 : i32
      %dma_wait3A_204 = arith.constant 0 : i32
      %dma_wait3A_205 = tpu.memref_slice %arg6[%dma_wait3A_203, %dma_wait3A_204] : memref<416x128xf32, #tpu.memory_space<vmem>> -> memref<32x128xf32, #tpu.memory_space<vmem>>
      %dma_wait3A_206 = arith.constant 0 : i32
      %dma_wait3A_207 = arith.constant 0 : i32
      %dma_wait3A_208 = tpu.memref_slice %arg2[%dma_wait3A_206, %dma_wait3A_207] : memref<101000x128xf32, #tpu.memory_space<hbm>> -> memref<32x128xf32, #tpu.memory_space<hbm>>
      %dma_wait3A_209 = arith.constant 384 : i32
      %dma_wait3A_210 = arith.constant 0 : i32
      %dma_wait3A_211 = tpu.memref_slice %arg6[%dma_wait3A_209, %dma_wait3A_210] : memref<416x128xf32, #tpu.memory_space<vmem>> -> memref<32x128xf32, #tpu.memory_space<vmem>>
      %dma_wait3A_212 = arith.constant 0 : i32
      %dma_wait3A_213 = arith.constant 0 : i32
      %dma_wait3A_214 = tpu.memref_slice %arg2[%dma_wait3A_212, %dma_wait3A_213] : memref<101000x128xf32, #tpu.memory_space<hbm>> -> memref<32x128xf32, #tpu.memory_space<hbm>>
      tpu.wait_dma2 semaphore(%arg9 : memref<!tpu.dma_semaphore, #tpu.memory_space<semaphore_mem>>) src(%dma_wait3A_214 : memref<32x128xf32, #tpu.memory_space<hbm>>) dst(%dma_wait3A_211 : memref<32x128xf32, #tpu.memory_space<vmem>>)
      %ge3A = arith.constant 1 : i32
      %ge3A_215 = arith.cmpi sge, %mul3A_166, %ge3A : i32
      %convert_element_type3A = arith.extui %ge3A_215 : i1 to i32
      %cond3A = arith.constant 0 : i32
      %cond3A_216 = arith.cmpi ne, %convert_element_type3A, %cond3A : i32
      scf.if %cond3A_216 {
        %dma_wait3A_554 = arith.constant 0 : i32
        %dma_wait3A_555 = arith.constant 0 : i32
        %dma_wait3A_556 = arith.constant 0 : i32
        %dma_wait3A_557 = tpu.memref_slice %arg8[%dma_wait3A_555, %dma_wait3A_556] : memref<416x128xf32, #tpu.memory_space<vmem>> -> memref<52x128xf32, #tpu.memory_space<vmem>>
        %dma_wait3A_558 = arith.constant 0 : i32
        %dma_wait3A_559 = arith.constant 0 : i32
        %dma_wait3A_560 = tpu.memref_slice %arg4[%dma_wait3A_554, %dma_wait3A_558, %dma_wait3A_559] : memref<4096x52x128xf32, #tpu.memory_space<hbm>> -> memref<1x52x128xf32, #tpu.memory_space<hbm>>
        %dma_wait3A_561 = tpu.memref_squeeze %dma_wait3A_560 : memref<1x52x128xf32, #tpu.memory_space<hbm>> -> memref<52x128xf32, #tpu.memory_space<hbm>>
        %dma_wait3A_562 = arith.constant 0 : i32
        %dma_wait3A_563 = arith.constant 0 : i32
        %dma_wait3A_564 = tpu.memref_slice %arg4[%dma_wait3A_554, %dma_wait3A_562, %dma_wait3A_563] : memref<4096x52x128xf32, #tpu.memory_space<hbm>> -> memref<1x52x128xf32, #tpu.memory_space<hbm>>
        %dma_wait3A_565 = tpu.memref_squeeze %dma_wait3A_564 : memref<1x52x128xf32, #tpu.memory_space<hbm>> -> memref<52x128xf32, #tpu.memory_space<hbm>>
        %dma_wait3A_566 = arith.constant 0 : i32
        %dma_wait3A_567 = arith.constant 0 : i32
        %dma_wait3A_568 = tpu.memref_slice %arg8[%dma_wait3A_566, %dma_wait3A_567] : memref<416x128xf32, #tpu.memory_space<vmem>> -> memref<52x128xf32, #tpu.memory_space<vmem>>
        tpu.wait_dma2 semaphore(%arg12 : memref<!tpu.dma_semaphore, #tpu.memory_space<semaphore_mem>>) src(%dma_wait3A_568 : memref<52x128xf32, #tpu.memory_space<vmem>>) dst(%dma_wait3A_565 : memref<52x128xf32, #tpu.memory_space<hbm>>)
        %dma_wait3A_569 = arith.constant 0 : i32
        %dma_wait3A_570 = arith.constant 52 : i32
        %dma_wait3A_571 = arith.constant 0 : i32
        %dma_wait3A_572 = tpu.memref_slice %arg8[%dma_wait3A_570, %dma_wait3A_571] : memref<416x128xf32, #tpu.memory_space<vmem>> -> memref<52x128xf32, #tpu.memory_space<vmem>>
        %dma_wait3A_573 = arith.constant 0 : i32
        %dma_wait3A_574 = arith.constant 0 : i32
        %dma_wait3A_575 = tpu.memref_slice %arg4[%dma_wait3A_569, %dma_wait3A_573, %dma_wait3A_574] : memref<4096x52x128xf32, #tpu.memory_space<hbm>> -> memref<1x52x128xf32, #tpu.memory_space<hbm>>
        %dma_wait3A_576 = tpu.memref_squeeze %dma_wait3A_575 : memref<1x52x128xf32, #tpu.memory_space<hbm>> -> memref<52x128xf32, #tpu.memory_space<hbm>>
        %dma_wait3A_577 = arith.constant 0 : i32
        %dma_wait3A_578 = arith.constant 0 : i32
        %dma_wait3A_579 = tpu.memref_slice %arg4[%dma_wait3A_569, %dma_wait3A_577, %dma_wait3A_578] : memref<4096x52x128xf32, #tpu.memory_space<hbm>> -> memref<1x52x128xf32, #tpu.memory_space<hbm>>
        %dma_wait3A_580 = tpu.memref_squeeze %dma_wait3A_579 : memref<1x52x128xf32, #tpu.memory_space<hbm>> -> memref<52x128xf32, #tpu.memory_space<hbm>>
        %dma_wait3A_581 = arith.constant 52 : i32
        %dma_wait3A_582 = arith.constant 0 : i32
        %dma_wait3A_583 = tpu.memref_slice %arg8[%dma_wait3A_581, %dma_wait3A_582] : memref<416x128xf32, #tpu.memory_space<vmem>> -> memref<52x128xf32, #tpu.memory_space<vmem>>
        tpu.wait_dma2 semaphore(%arg12 : memref<!tpu.dma_semaphore, #tpu.memory_space<semaphore_mem>>) src(%dma_wait3A_583 : memref<52x128xf32, #tpu.memory_space<vmem>>) dst(%dma_wait3A_580 : memref<52x128xf32, #tpu.memory_space<hbm>>)
        %dma_wait3A_584 = arith.constant 0 : i32
        %dma_wait3A_585 = arith.constant 104 : i32
        %dma_wait3A_586 = arith.constant 0 : i32
        %dma_wait3A_587 = tpu.memref_slice %arg8[%dma_wait3A_585, %dma_wait3A_586] : memref<416x128xf32, #tpu.memory_space<vmem>> -> memref<52x128xf32, #tpu.memory_space<vmem>>
        %dma_wait3A_588 = arith.constant 0 : i32
        %dma_wait3A_589 = arith.constant 0 : i32
        %dma_wait3A_590 = tpu.memref_slice %arg4[%dma_wait3A_584, %dma_wait3A_588, %dma_wait3A_589] : memref<4096x52x128xf32, #tpu.memory_space<hbm>> -> memref<1x52x128xf32, #tpu.memory_space<hbm>>
        %dma_wait3A_591 = tpu.memref_squeeze %dma_wait3A_590 : memref<1x52x128xf32, #tpu.memory_space<hbm>> -> memref<52x128xf32, #tpu.memory_space<hbm>>
        %dma_wait3A_592 = arith.constant 0 : i32
        %dma_wait3A_593 = arith.constant 0 : i32
        %dma_wait3A_594 = tpu.memref_slice %arg4[%dma_wait3A_584, %dma_wait3A_592, %dma_wait3A_593] : memref<4096x52x128xf32, #tpu.memory_space<hbm>> -> memref<1x52x128xf32, #tpu.memory_space<hbm>>
        %dma_wait3A_595 = tpu.memref_squeeze %dma_wait3A_594 : memref<1x52x128xf32, #tpu.memory_space<hbm>> -> memref<52x128xf32, #tpu.memory_space<hbm>>
        %dma_wait3A_596 = arith.constant 104 : i32
        %dma_wait3A_597 = arith.constant 0 : i32
        %dma_wait3A_598 = tpu.memref_slice %arg8[%dma_wait3A_596, %dma_wait3A_597] : memref<416x128xf32, #tpu.memory_space<vmem>> -> memref<52x128xf32, #tpu.memory_space<vmem>>
        tpu.wait_dma2 semaphore(%arg12 : memref<!tpu.dma_semaphore, #tpu.memory_space<semaphore_mem>>) src(%dma_wait3A_598 : memref<52x128xf32, #tpu.memory_space<vmem>>) dst(%dma_wait3A_595 : memref<52x128xf32, #tpu.memory_space<hbm>>)
        %dma_wait3A_599 = arith.constant 0 : i32
        %dma_wait3A_600 = arith.constant 156 : i32
        %dma_wait3A_601 = arith.constant 0 : i32
        %dma_wait3A_602 = tpu.memref_slice %arg8[%dma_wait3A_600, %dma_wait3A_601] : memref<416x128xf32, #tpu.memory_space<vmem>> -> memref<52x128xf32, #tpu.memory_space<vmem>>
        %dma_wait3A_603 = arith.constant 0 : i32
        %dma_wait3A_604 = arith.constant 0 : i32
        %dma_wait3A_605 = tpu.memref_slice %arg4[%dma_wait3A_599, %dma_wait3A_603, %dma_wait3A_604] : memref<4096x52x128xf32, #tpu.memory_space<hbm>> -> memref<1x52x128xf32, #tpu.memory_space<hbm>>
        %dma_wait3A_606 = tpu.memref_squeeze %dma_wait3A_605 : memref<1x52x128xf32, #tpu.memory_space<hbm>> -> memref<52x128xf32, #tpu.memory_space<hbm>>
        %dma_wait3A_607 = arith.constant 0 : i32
        %dma_wait3A_608 = arith.constant 0 : i32
        %dma_wait3A_609 = tpu.memref_slice %arg4[%dma_wait3A_599, %dma_wait3A_607, %dma_wait3A_608] : memref<4096x52x128xf32, #tpu.memory_space<hbm>> -> memref<1x52x128xf32, #tpu.memory_space<hbm>>
        %dma_wait3A_610 = tpu.memref_squeeze %dma_wait3A_609 : memref<1x52x128xf32, #tpu.memory_space<hbm>> -> memref<52x128xf32, #tpu.memory_space<hbm>>
        %dma_wait3A_611 = arith.constant 156 : i32
        %dma_wait3A_612 = arith.constant 0 : i32
        %dma_wait3A_613 = tpu.memref_slice %arg8[%dma_wait3A_611, %dma_wait3A_612] : memref<416x128xf32, #tpu.memory_space<vmem>> -> memref<52x128xf32, #tpu.memory_space<vmem>>
        tpu.wait_dma2 semaphore(%arg12 : memref<!tpu.dma_semaphore, #tpu.memory_space<semaphore_mem>>) src(%dma_wait3A_613 : memref<52x128xf32, #tpu.memory_space<vmem>>) dst(%dma_wait3A_610 : memref<52x128xf32, #tpu.memory_space<hbm>>)
        %dma_wait3A_614 = arith.constant 0 : i32
        %dma_wait3A_615 = arith.constant 208 : i32
        %dma_wait3A_616 = arith.constant 0 : i32
        %dma_wait3A_617 = tpu.memref_slice %arg8[%dma_wait3A_615, %dma_wait3A_616] : memref<416x128xf32, #tpu.memory_space<vmem>> -> memref<52x128xf32, #tpu.memory_space<vmem>>
        %dma_wait3A_618 = arith.constant 0 : i32
        %dma_wait3A_619 = arith.constant 0 : i32
        %dma_wait3A_620 = tpu.memref_slice %arg4[%dma_wait3A_614, %dma_wait3A_618, %dma_wait3A_619] : memref<4096x52x128xf32, #tpu.memory_space<hbm>> -> memref<1x52x128xf32, #tpu.memory_space<hbm>>
        %dma_wait3A_621 = tpu.memref_squeeze %dma_wait3A_620 : memref<1x52x128xf32, #tpu.memory_space<hbm>> -> memref<52x128xf32, #tpu.memory_space<hbm>>
        %dma_wait3A_622 = arith.constant 0 : i32
        %dma_wait3A_623 = arith.constant 0 : i32
        %dma_wait3A_624 = tpu.memref_slice %arg4[%dma_wait3A_614, %dma_wait3A_622, %dma_wait3A_623] : memref<4096x52x128xf32, #tpu.memory_space<hbm>> -> memref<1x52x128xf32, #tpu.memory_space<hbm>>
        %dma_wait3A_625 = tpu.memref_squeeze %dma_wait3A_624 : memref<1x52x128xf32, #tpu.memory_space<hbm>> -> memref<52x128xf32, #tpu.memory_space<hbm>>
        %dma_wait3A_626 = arith.constant 208 : i32
        %dma_wait3A_627 = arith.constant 0 : i32
        %dma_wait3A_628 = tpu.memref_slice %arg8[%dma_wait3A_626, %dma_wait3A_627] : memref<416x128xf32, #tpu.memory_space<vmem>> -> memref<52x128xf32, #tpu.memory_space<vmem>>
        tpu.wait_dma2 semaphore(%arg12 : memref<!tpu.dma_semaphore, #tpu.memory_space<semaphore_mem>>) src(%dma_wait3A_628 : memref<52x128xf32, #tpu.memory_space<vmem>>) dst(%dma_wait3A_625 : memref<52x128xf32, #tpu.memory_space<hbm>>)
        %dma_wait3A_629 = arith.constant 0 : i32
        %dma_wait3A_630 = arith.constant 260 : i32
        %dma_wait3A_631 = arith.constant 0 : i32
        %dma_wait3A_632 = tpu.memref_slice %arg8[%dma_wait3A_630, %dma_wait3A_631] : memref<416x128xf32, #tpu.memory_space<vmem>> -> memref<52x128xf32, #tpu.memory_space<vmem>>
        %dma_wait3A_633 = arith.constant 0 : i32
        %dma_wait3A_634 = arith.constant 0 : i32
        %dma_wait3A_635 = tpu.memref_slice %arg4[%dma_wait3A_629, %dma_wait3A_633, %dma_wait3A_634] : memref<4096x52x128xf32, #tpu.memory_space<hbm>> -> memref<1x52x128xf32, #tpu.memory_space<hbm>>
        %dma_wait3A_636 = tpu.memref_squeeze %dma_wait3A_635 : memref<1x52x128xf32, #tpu.memory_space<hbm>> -> memref<52x128xf32, #tpu.memory_space<hbm>>
        %dma_wait3A_637 = arith.constant 0 : i32
        %dma_wait3A_638 = arith.constant 0 : i32
        %dma_wait3A_639 = tpu.memref_slice %arg4[%dma_wait3A_629, %dma_wait3A_637, %dma_wait3A_638] : memref<4096x52x128xf32, #tpu.memory_space<hbm>> -> memref<1x52x128xf32, #tpu.memory_space<hbm>>
        %dma_wait3A_640 = tpu.memref_squeeze %dma_wait3A_639 : memref<1x52x128xf32, #tpu.memory_space<hbm>> -> memref<52x128xf32, #tpu.memory_space<hbm>>
        %dma_wait3A_641 = arith.constant 260 : i32
        %dma_wait3A_642 = arith.constant 0 : i32
        %dma_wait3A_643 = tpu.memref_slice %arg8[%dma_wait3A_641, %dma_wait3A_642] : memref<416x128xf32, #tpu.memory_space<vmem>> -> memref<52x128xf32, #tpu.memory_space<vmem>>
        tpu.wait_dma2 semaphore(%arg12 : memref<!tpu.dma_semaphore, #tpu.memory_space<semaphore_mem>>) src(%dma_wait3A_643 : memref<52x128xf32, #tpu.memory_space<vmem>>) dst(%dma_wait3A_640 : memref<52x128xf32, #tpu.memory_space<hbm>>)
        %dma_wait3A_644 = arith.constant 0 : i32
        %dma_wait3A_645 = arith.constant 312 : i32
        %dma_wait3A_646 = arith.constant 0 : i32
        %dma_wait3A_647 = tpu.memref_slice %arg8[%dma_wait3A_645, %dma_wait3A_646] : memref<416x128xf32, #tpu.memory_space<vmem>> -> memref<52x128xf32, #tpu.memory_space<vmem>>
        %dma_wait3A_648 = arith.constant 0 : i32
        %dma_wait3A_649 = arith.constant 0 : i32
        %dma_wait3A_650 = tpu.memref_slice %arg4[%dma_wait3A_644, %dma_wait3A_648, %dma_wait3A_649] : memref<4096x52x128xf32, #tpu.memory_space<hbm>> -> memref<1x52x128xf32, #tpu.memory_space<hbm>>
        %dma_wait3A_651 = tpu.memref_squeeze %dma_wait3A_650 : memref<1x52x128xf32, #tpu.memory_space<hbm>> -> memref<52x128xf32, #tpu.memory_space<hbm>>
        %dma_wait3A_652 = arith.constant 0 : i32
        %dma_wait3A_653 = arith.constant 0 : i32
        %dma_wait3A_654 = tpu.memref_slice %arg4[%dma_wait3A_644, %dma_wait3A_652, %dma_wait3A_653] : memref<4096x52x128xf32, #tpu.memory_space<hbm>> -> memref<1x52x128xf32, #tpu.memory_space<hbm>>
        %dma_wait3A_655 = tpu.memref_squeeze %dma_wait3A_654 : memref<1x52x128xf32, #tpu.memory_space<hbm>> -> memref<52x128xf32, #tpu.memory_space<hbm>>
        %dma_wait3A_656 = arith.constant 312 : i32
        %dma_wait3A_657 = arith.constant 0 : i32
        %dma_wait3A_658 = tpu.memref_slice %arg8[%dma_wait3A_656, %dma_wait3A_657] : memref<416x128xf32, #tpu.memory_space<vmem>> -> memref<52x128xf32, #tpu.memory_space<vmem>>
        tpu.wait_dma2 semaphore(%arg12 : memref<!tpu.dma_semaphore, #tpu.memory_space<semaphore_mem>>) src(%dma_wait3A_658 : memref<52x128xf32, #tpu.memory_space<vmem>>) dst(%dma_wait3A_655 : memref<52x128xf32, #tpu.memory_space<hbm>>)
        %dma_wait3A_659 = arith.constant 0 : i32
        %dma_wait3A_660 = arith.constant 364 : i32
        %dma_wait3A_661 = arith.constant 0 : i32
        %dma_wait3A_662 = tpu.memref_slice %arg8[%dma_wait3A_660, %dma_wait3A_661] : memref<416x128xf32, #tpu.memory_space<vmem>> -> memref<52x128xf32, #tpu.memory_space<vmem>>
        %dma_wait3A_663 = arith.constant 0 : i32
        %dma_wait3A_664 = arith.constant 0 : i32
        %dma_wait3A_665 = tpu.memref_slice %arg4[%dma_wait3A_659, %dma_wait3A_663, %dma_wait3A_664] : memref<4096x52x128xf32, #tpu.memory_space<hbm>> -> memref<1x52x128xf32, #tpu.memory_space<hbm>>
        %dma_wait3A_666 = tpu.memref_squeeze %dma_wait3A_665 : memref<1x52x128xf32, #tpu.memory_space<hbm>> -> memref<52x128xf32, #tpu.memory_space<hbm>>
        %dma_wait3A_667 = arith.constant 0 : i32
        %dma_wait3A_668 = arith.constant 0 : i32
        %dma_wait3A_669 = tpu.memref_slice %arg4[%dma_wait3A_659, %dma_wait3A_667, %dma_wait3A_668] : memref<4096x52x128xf32, #tpu.memory_space<hbm>> -> memref<1x52x128xf32, #tpu.memory_space<hbm>>
        %dma_wait3A_670 = tpu.memref_squeeze %dma_wait3A_669 : memref<1x52x128xf32, #tpu.memory_space<hbm>> -> memref<52x128xf32, #tpu.memory_space<hbm>>
        %dma_wait3A_671 = arith.constant 364 : i32
        %dma_wait3A_672 = arith.constant 0 : i32
        %dma_wait3A_673 = tpu.memref_slice %arg8[%dma_wait3A_671, %dma_wait3A_672] : memref<416x128xf32, #tpu.memory_space<vmem>> -> memref<52x128xf32, #tpu.memory_space<vmem>>
        tpu.wait_dma2 semaphore(%arg12 : memref<!tpu.dma_semaphore, #tpu.memory_space<semaphore_mem>>) src(%dma_wait3A_673 : memref<52x128xf32, #tpu.memory_space<vmem>>) dst(%dma_wait3A_670 : memref<52x128xf32, #tpu.memory_space<hbm>>)
      } else {
      }
      %add3A_217 = arith.constant 1 : i32
      %add3A_218 = arith.addi %mul3A_166, %add3A_217 : i32
      %lt3A = arith.constant 16 : i32
      %lt3A_219 = arith.cmpi slt, %add3A_218, %lt3A : i32
      %convert_element_type3A_220 = arith.extui %lt3A_219 : i1 to i32
      %cond3A_221 = arith.constant 0 : i32
      %cond3A_222 = arith.cmpi ne, %convert_element_type3A_220, %cond3A_221 : i32
      scf.if %cond3A_222 {
        %add3A_554 = arith.constant 1 : i32
        %add3A_555 = arith.addi %mul3A_166, %add3A_554 : i32
        %mul3A_556 = arith.constant 128 : i32
        %mul3A_557 = arith.muli %add3A, %mul3A_556 : i32
        %mul3A_558 = arith.constant 8 : i32
        %mul3A_559 = arith.muli %add3A_555, %mul3A_558 : i32
        %add3A_560 = arith.addi %mul3A_557, %mul3A_559 : i32
        %mul3A_561 = arith.constant 52 : i32
        %mul3A_562 = arith.muli %add3A_560, %mul3A_561 : i32
        "tpu.region"() ({
          %run_scoped3A = tpu.sem_alloc : memref<!tpu.dma_semaphore, #tpu.memory_space<semaphore_mem>>
          %dma_start3A_595 = tpu.memref_slice %arg3[%mul3A_562] : memref<212992xi32, #tpu.memory_space<hbm>> -> memref<416xi32, #tpu.memory_space<hbm>>
          %dma_start3A_596 = tpu.memref_slice %arg3[%mul3A_562] : memref<212992xi32, #tpu.memory_space<hbm>> -> memref<416xi32, #tpu.memory_space<hbm>>
          tpu.enqueue_dma source(%dma_start3A_596 : memref<416xi32, #tpu.memory_space<hbm>>) target(%arg7 : memref<416xi32, #tpu.memory_space<vmem>>) target_semaphore(%run_scoped3A : memref<!tpu.dma_semaphore, #tpu.memory_space<semaphore_mem>>)
          %dma_wait3A_597 = tpu.memref_slice %arg3[%mul3A_562] : memref<212992xi32, #tpu.memory_space<hbm>> -> memref<416xi32, #tpu.memory_space<hbm>>
          %dma_wait3A_598 = tpu.memref_slice %arg3[%mul3A_562] : memref<212992xi32, #tpu.memory_space<hbm>> -> memref<416xi32, #tpu.memory_space<hbm>>
          tpu.wait_dma2 semaphore(%run_scoped3A : memref<!tpu.dma_semaphore, #tpu.memory_space<semaphore_mem>>) src(%dma_wait3A_598 : memref<416xi32, #tpu.memory_space<hbm>>) dst(%arg7 : memref<416xi32, #tpu.memory_space<vmem>>)
          tpu.yield
        }) : () -> ()
        %dma_start3A_563 = arith.constant 0 : i32
        %dma_start3A_564 = arith.constant 0 : i32
        %dma_start3A_565 = tpu.memref_slice %arg8[%dma_start3A_563, %dma_start3A_564] : memref<416x128xf32, #tpu.memory_space<vmem>> -> memref<128x128xf32, #tpu.memory_space<vmem>>
        %dma_start3A_566 = arith.constant 0 : i32
        %dma_start3A_567 = tpu.memref_slice %arg7[%dma_start3A_566] : memref<416xi32, #tpu.memory_space<vmem>> -> memref<128xi32, #tpu.memory_space<vmem>>
        %dma_start3A_568 = arith.constant 0 : i32
        %dma_start3A_569 = arith.constant 0 : i32
        %dma_start3A_570 = tpu.memref_slice %arg2[%dma_start3A_568, %dma_start3A_569] : memref<101000x128xf32, #tpu.memory_space<hbm>> -> memref<101000x128xf32, #tpu.memory_space<hbm>>
        tpu.enqueue_indirect_dma source(%dma_start3A_570 : memref<101000x128xf32, #tpu.memory_space<hbm>>) target(%dma_start3A_565 : memref<128x128xf32, #tpu.memory_space<vmem>>) offsets(%dma_start3A_567 : memref<128xi32, #tpu.memory_space<vmem>>) semaphore(%arg10 : memref<!tpu.dma_semaphore, #tpu.memory_space<semaphore_mem>>)
        %dma_start3A_571 = arith.constant 128 : i32
        %dma_start3A_572 = arith.constant 0 : i32
        %dma_start3A_573 = tpu.memref_slice %arg8[%dma_start3A_571, %dma_start3A_572] : memref<416x128xf32, #tpu.memory_space<vmem>> -> memref<128x128xf32, #tpu.memory_space<vmem>>
        %dma_start3A_574 = arith.constant 128 : i32
        %dma_start3A_575 = tpu.memref_slice %arg7[%dma_start3A_574] : memref<416xi32, #tpu.memory_space<vmem>> -> memref<128xi32, #tpu.memory_space<vmem>>
        %dma_start3A_576 = arith.constant 0 : i32
        %dma_start3A_577 = arith.constant 0 : i32
        %dma_start3A_578 = tpu.memref_slice %arg2[%dma_start3A_576, %dma_start3A_577] : memref<101000x128xf32, #tpu.memory_space<hbm>> -> memref<101000x128xf32, #tpu.memory_space<hbm>>
        tpu.enqueue_indirect_dma source(%dma_start3A_578 : memref<101000x128xf32, #tpu.memory_space<hbm>>) target(%dma_start3A_573 : memref<128x128xf32, #tpu.memory_space<vmem>>) offsets(%dma_start3A_575 : memref<128xi32, #tpu.memory_space<vmem>>) semaphore(%arg10 : memref<!tpu.dma_semaphore, #tpu.memory_space<semaphore_mem>>)
        %dma_start3A_579 = arith.constant 256 : i32
        %dma_start3A_580 = arith.constant 0 : i32
        %dma_start3A_581 = tpu.memref_slice %arg8[%dma_start3A_579, %dma_start3A_580] : memref<416x128xf32, #tpu.memory_space<vmem>> -> memref<128x128xf32, #tpu.memory_space<vmem>>
        %dma_start3A_582 = arith.constant 256 : i32
        %dma_start3A_583 = tpu.memref_slice %arg7[%dma_start3A_582] : memref<416xi32, #tpu.memory_space<vmem>> -> memref<128xi32, #tpu.memory_space<vmem>>
        %dma_start3A_584 = arith.constant 0 : i32
        %dma_start3A_585 = arith.constant 0 : i32
        %dma_start3A_586 = tpu.memref_slice %arg2[%dma_start3A_584, %dma_start3A_585] : memref<101000x128xf32, #tpu.memory_space<hbm>> -> memref<101000x128xf32, #tpu.memory_space<hbm>>
        tpu.enqueue_indirect_dma source(%dma_start3A_586 : memref<101000x128xf32, #tpu.memory_space<hbm>>) target(%dma_start3A_581 : memref<128x128xf32, #tpu.memory_space<vmem>>) offsets(%dma_start3A_583 : memref<128xi32, #tpu.memory_space<vmem>>) semaphore(%arg10 : memref<!tpu.dma_semaphore, #tpu.memory_space<semaphore_mem>>)
        %dma_start3A_587 = arith.constant 384 : i32
        %dma_start3A_588 = arith.constant 0 : i32
        %dma_start3A_589 = tpu.memref_slice %arg8[%dma_start3A_587, %dma_start3A_588] : memref<416x128xf32, #tpu.memory_space<vmem>> -> memref<32x128xf32, #tpu.memory_space<vmem>>
        %dma_start3A_590 = arith.constant 384 : i32
        %dma_start3A_591 = tpu.memref_slice %arg7[%dma_start3A_590] : memref<416xi32, #tpu.memory_space<vmem>> -> memref<32xi32, #tpu.memory_space<vmem>>
        %dma_start3A_592 = arith.constant 0 : i32
        %dma_start3A_593 = arith.constant 0 : i32
        %dma_start3A_594 = tpu.memref_slice %arg2[%dma_start3A_592, %dma_start3A_593] : memref<101000x128xf32, #tpu.memory_space<hbm>> -> memref<101000x128xf32, #tpu.memory_space<hbm>>
        tpu.enqueue_indirect_dma source(%dma_start3A_594 : memref<101000x128xf32, #tpu.memory_space<hbm>>) target(%dma_start3A_589 : memref<32x128xf32, #tpu.memory_space<vmem>>) offsets(%dma_start3A_591 : memref<32xi32, #tpu.memory_space<vmem>>) semaphore(%arg10 : memref<!tpu.dma_semaphore, #tpu.memory_space<semaphore_mem>>)
      } else {
      }
      %mul3A_223 = arith.constant 128 : i32
      %mul3A_224 = arith.muli %add3A, %mul3A_223 : i32
      %mul3A_225 = arith.constant 8 : i32
      %mul3A_226 = arith.muli %mul3A_166, %mul3A_225 : i32
      %add3A_227 = arith.addi %mul3A_224, %mul3A_226 : i32
      %add3A_228 = arith.constant 0 : i32
      %add3A_229 = arith.addi %add3A_227, %add3A_228 : i32
      %dma_start3A_230 = arith.constant 0 : i32
      %dma_start3A_231 = arith.constant 0 : i32
      %dma_start3A_232 = tpu.memref_slice %arg6[%dma_start3A_230, %dma_start3A_231] : memref<416x128xf32, #tpu.memory_space<vmem>> -> memref<52x128xf32, #tpu.memory_space<vmem>>
      %dma_start3A_233 = arith.constant 0 : i32
      %dma_start3A_234 = arith.constant 0 : i32
      %dma_start3A_235 = tpu.memref_slice %arg4[%add3A_229, %dma_start3A_233, %dma_start3A_234] : memref<4096x52x128xf32, #tpu.memory_space<hbm>> -> memref<1x52x128xf32, #tpu.memory_space<hbm>>
      %dma_start3A_236 = tpu.memref_squeeze %dma_start3A_235 : memref<1x52x128xf32, #tpu.memory_space<hbm>> -> memref<52x128xf32, #tpu.memory_space<hbm>>
      %dma_start3A_237 = arith.constant 0 : i32
      %dma_start3A_238 = arith.constant 0 : i32
      %dma_start3A_239 = tpu.memref_slice %arg4[%add3A_229, %dma_start3A_237, %dma_start3A_238] : memref<4096x52x128xf32, #tpu.memory_space<hbm>> -> memref<1x52x128xf32, #tpu.memory_space<hbm>>
      %dma_start3A_240 = tpu.memref_squeeze %dma_start3A_239 : memref<1x52x128xf32, #tpu.memory_space<hbm>> -> memref<52x128xf32, #tpu.memory_space<hbm>>
      %dma_start3A_241 = arith.constant 0 : i32
      %dma_start3A_242 = arith.constant 0 : i32
      %dma_start3A_243 = tpu.memref_slice %arg6[%dma_start3A_241, %dma_start3A_242] : memref<416x128xf32, #tpu.memory_space<vmem>> -> memref<52x128xf32, #tpu.memory_space<vmem>>
      tpu.enqueue_dma source(%dma_start3A_243 : memref<52x128xf32, #tpu.memory_space<vmem>>) target(%dma_start3A_240 : memref<52x128xf32, #tpu.memory_space<hbm>>) target_semaphore(%arg11 : memref<!tpu.dma_semaphore, #tpu.memory_space<semaphore_mem>>)
      %add3A_244 = arith.constant 1 : i32
      %add3A_245 = arith.addi %add3A_227, %add3A_244 : i32
      %dma_start3A_246 = arith.constant 52 : i32
      %dma_start3A_247 = arith.constant 0 : i32
      %dma_start3A_248 = tpu.memref_slice %arg6[%dma_start3A_246, %dma_start3A_247] : memref<416x128xf32, #tpu.memory_space<vmem>> -> memref<52x128xf32, #tpu.memory_space<vmem>>
      %dma_start3A_249 = arith.constant 0 : i32
      %dma_start3A_250 = arith.constant 0 : i32
      %dma_start3A_251 = tpu.memref_slice %arg4[%add3A_245, %dma_start3A_249, %dma_start3A_250] : memref<4096x52x128xf32, #tpu.memory_space<hbm>> -> memref<1x52x128xf32, #tpu.memory_space<hbm>>
      %dma_start3A_252 = tpu.memref_squeeze %dma_start3A_251 : memref<1x52x128xf32, #tpu.memory_space<hbm>> -> memref<52x128xf32, #tpu.memory_space<hbm>>
      %dma_start3A_253 = arith.constant 0 : i32
      %dma_start3A_254 = arith.constant 0 : i32
      %dma_start3A_255 = tpu.memref_slice %arg4[%add3A_245, %dma_start3A_253, %dma_start3A_254] : memref<4096x52x128xf32, #tpu.memory_space<hbm>> -> memref<1x52x128xf32, #tpu.memory_space<hbm>>
      %dma_start3A_256 = tpu.memref_squeeze %dma_start3A_255 : memref<1x52x128xf32, #tpu.memory_space<hbm>> -> memref<52x128xf32, #tpu.memory_space<hbm>>
      %dma_start3A_257 = arith.constant 52 : i32
      %dma_start3A_258 = arith.constant 0 : i32
      %dma_start3A_259 = tpu.memref_slice %arg6[%dma_start3A_257, %dma_start3A_258] : memref<416x128xf32, #tpu.memory_space<vmem>> -> memref<52x128xf32, #tpu.memory_space<vmem>>
      tpu.enqueue_dma source(%dma_start3A_259 : memref<52x128xf32, #tpu.memory_space<vmem>>) target(%dma_start3A_256 : memref<52x128xf32, #tpu.memory_space<hbm>>) target_semaphore(%arg11 : memref<!tpu.dma_semaphore, #tpu.memory_space<semaphore_mem>>)
      %add3A_260 = arith.constant 2 : i32
      %add3A_261 = arith.addi %add3A_227, %add3A_260 : i32
      %dma_start3A_262 = arith.constant 104 : i32
      %dma_start3A_263 = arith.constant 0 : i32
      %dma_start3A_264 = tpu.memref_slice %arg6[%dma_start3A_262, %dma_start3A_263] : memref<416x128xf32, #tpu.memory_space<vmem>> -> memref<52x128xf32, #tpu.memory_space<vmem>>
      %dma_start3A_265 = arith.constant 0 : i32
      %dma_start3A_266 = arith.constant 0 : i32
      %dma_start3A_267 = tpu.memref_slice %arg4[%add3A_261, %dma_start3A_265, %dma_start3A_266] : memref<4096x52x128xf32, #tpu.memory_space<hbm>> -> memref<1x52x128xf32, #tpu.memory_space<hbm>>
      %dma_start3A_268 = tpu.memref_squeeze %dma_start3A_267 : memref<1x52x128xf32, #tpu.memory_space<hbm>> -> memref<52x128xf32, #tpu.memory_space<hbm>>
      %dma_start3A_269 = arith.constant 0 : i32
      %dma_start3A_270 = arith.constant 0 : i32
      %dma_start3A_271 = tpu.memref_slice %arg4[%add3A_261, %dma_start3A_269, %dma_start3A_270] : memref<4096x52x128xf32, #tpu.memory_space<hbm>> -> memref<1x52x128xf32, #tpu.memory_space<hbm>>
      %dma_start3A_272 = tpu.memref_squeeze %dma_start3A_271 : memref<1x52x128xf32, #tpu.memory_space<hbm>> -> memref<52x128xf32, #tpu.memory_space<hbm>>
      %dma_start3A_273 = arith.constant 104 : i32
      %dma_start3A_274 = arith.constant 0 : i32
      %dma_start3A_275 = tpu.memref_slice %arg6[%dma_start3A_273, %dma_start3A_274] : memref<416x128xf32, #tpu.memory_space<vmem>> -> memref<52x128xf32, #tpu.memory_space<vmem>>
      tpu.enqueue_dma source(%dma_start3A_275 : memref<52x128xf32, #tpu.memory_space<vmem>>) target(%dma_start3A_272 : memref<52x128xf32, #tpu.memory_space<hbm>>) target_semaphore(%arg11 : memref<!tpu.dma_semaphore, #tpu.memory_space<semaphore_mem>>)
      %add3A_276 = arith.constant 3 : i32
      %add3A_277 = arith.addi %add3A_227, %add3A_276 : i32
      %dma_start3A_278 = arith.constant 156 : i32
      %dma_start3A_279 = arith.constant 0 : i32
      %dma_start3A_280 = tpu.memref_slice %arg6[%dma_start3A_278, %dma_start3A_279] : memref<416x128xf32, #tpu.memory_space<vmem>> -> memref<52x128xf32, #tpu.memory_space<vmem>>
      %dma_start3A_281 = arith.constant 0 : i32
      %dma_start3A_282 = arith.constant 0 : i32
      %dma_start3A_283 = tpu.memref_slice %arg4[%add3A_277, %dma_start3A_281, %dma_start3A_282] : memref<4096x52x128xf32, #tpu.memory_space<hbm>> -> memref<1x52x128xf32, #tpu.memory_space<hbm>>
      %dma_start3A_284 = tpu.memref_squeeze %dma_start3A_283 : memref<1x52x128xf32, #tpu.memory_space<hbm>> -> memref<52x128xf32, #tpu.memory_space<hbm>>
      %dma_start3A_285 = arith.constant 0 : i32
      %dma_start3A_286 = arith.constant 0 : i32
      %dma_start3A_287 = tpu.memref_slice %arg4[%add3A_277, %dma_start3A_285, %dma_start3A_286] : memref<4096x52x128xf32, #tpu.memory_space<hbm>> -> memref<1x52x128xf32, #tpu.memory_space<hbm>>
      %dma_start3A_288 = tpu.memref_squeeze %dma_start3A_287 : memref<1x52x128xf32, #tpu.memory_space<hbm>> -> memref<52x128xf32, #tpu.memory_space<hbm>>
      %dma_start3A_289 = arith.constant 156 : i32
      %dma_start3A_290 = arith.constant 0 : i32
      %dma_start3A_291 = tpu.memref_slice %arg6[%dma_start3A_289, %dma_start3A_290] : memref<416x128xf32, #tpu.memory_space<vmem>> -> memref<52x128xf32, #tpu.memory_space<vmem>>
      tpu.enqueue_dma source(%dma_start3A_291 : memref<52x128xf32, #tpu.memory_space<vmem>>) target(%dma_start3A_288 : memref<52x128xf32, #tpu.memory_space<hbm>>) target_semaphore(%arg11 : memref<!tpu.dma_semaphore, #tpu.memory_space<semaphore_mem>>)
      %add3A_292 = arith.constant 4 : i32
      %add3A_293 = arith.addi %add3A_227, %add3A_292 : i32
      %dma_start3A_294 = arith.constant 208 : i32
      %dma_start3A_295 = arith.constant 0 : i32
      %dma_start3A_296 = tpu.memref_slice %arg6[%dma_start3A_294, %dma_start3A_295] : memref<416x128xf32, #tpu.memory_space<vmem>> -> memref<52x128xf32, #tpu.memory_space<vmem>>
      %dma_start3A_297 = arith.constant 0 : i32
      %dma_start3A_298 = arith.constant 0 : i32
      %dma_start3A_299 = tpu.memref_slice %arg4[%add3A_293, %dma_start3A_297, %dma_start3A_298] : memref<4096x52x128xf32, #tpu.memory_space<hbm>> -> memref<1x52x128xf32, #tpu.memory_space<hbm>>
      %dma_start3A_300 = tpu.memref_squeeze %dma_start3A_299 : memref<1x52x128xf32, #tpu.memory_space<hbm>> -> memref<52x128xf32, #tpu.memory_space<hbm>>
      %dma_start3A_301 = arith.constant 0 : i32
      %dma_start3A_302 = arith.constant 0 : i32
      %dma_start3A_303 = tpu.memref_slice %arg4[%add3A_293, %dma_start3A_301, %dma_start3A_302] : memref<4096x52x128xf32, #tpu.memory_space<hbm>> -> memref<1x52x128xf32, #tpu.memory_space<hbm>>
      %dma_start3A_304 = tpu.memref_squeeze %dma_start3A_303 : memref<1x52x128xf32, #tpu.memory_space<hbm>> -> memref<52x128xf32, #tpu.memory_space<hbm>>
      %dma_start3A_305 = arith.constant 208 : i32
      %dma_start3A_306 = arith.constant 0 : i32
      %dma_start3A_307 = tpu.memref_slice %arg6[%dma_start3A_305, %dma_start3A_306] : memref<416x128xf32, #tpu.memory_space<vmem>> -> memref<52x128xf32, #tpu.memory_space<vmem>>
      tpu.enqueue_dma source(%dma_start3A_307 : memref<52x128xf32, #tpu.memory_space<vmem>>) target(%dma_start3A_304 : memref<52x128xf32, #tpu.memory_space<hbm>>) target_semaphore(%arg11 : memref<!tpu.dma_semaphore, #tpu.memory_space<semaphore_mem>>)
      %add3A_308 = arith.constant 5 : i32
      %add3A_309 = arith.addi %add3A_227, %add3A_308 : i32
      %dma_start3A_310 = arith.constant 260 : i32
      %dma_start3A_311 = arith.constant 0 : i32
      %dma_start3A_312 = tpu.memref_slice %arg6[%dma_start3A_310, %dma_start3A_311] : memref<416x128xf32, #tpu.memory_space<vmem>> -> memref<52x128xf32, #tpu.memory_space<vmem>>
      %dma_start3A_313 = arith.constant 0 : i32
      %dma_start3A_314 = arith.constant 0 : i32
      %dma_start3A_315 = tpu.memref_slice %arg4[%add3A_309, %dma_start3A_313, %dma_start3A_314] : memref<4096x52x128xf32, #tpu.memory_space<hbm>> -> memref<1x52x128xf32, #tpu.memory_space<hbm>>
      %dma_start3A_316 = tpu.memref_squeeze %dma_start3A_315 : memref<1x52x128xf32, #tpu.memory_space<hbm>> -> memref<52x128xf32, #tpu.memory_space<hbm>>
      %dma_start3A_317 = arith.constant 0 : i32
      %dma_start3A_318 = arith.constant 0 : i32
      %dma_start3A_319 = tpu.memref_slice %arg4[%add3A_309, %dma_start3A_317, %dma_start3A_318] : memref<4096x52x128xf32, #tpu.memory_space<hbm>> -> memref<1x52x128xf32, #tpu.memory_space<hbm>>
      %dma_start3A_320 = tpu.memref_squeeze %dma_start3A_319 : memref<1x52x128xf32, #tpu.memory_space<hbm>> -> memref<52x128xf32, #tpu.memory_space<hbm>>
      %dma_start3A_321 = arith.constant 260 : i32
      %dma_start3A_322 = arith.constant 0 : i32
      %dma_start3A_323 = tpu.memref_slice %arg6[%dma_start3A_321, %dma_start3A_322] : memref<416x128xf32, #tpu.memory_space<vmem>> -> memref<52x128xf32, #tpu.memory_space<vmem>>
      tpu.enqueue_dma source(%dma_start3A_323 : memref<52x128xf32, #tpu.memory_space<vmem>>) target(%dma_start3A_320 : memref<52x128xf32, #tpu.memory_space<hbm>>) target_semaphore(%arg11 : memref<!tpu.dma_semaphore, #tpu.memory_space<semaphore_mem>>)
      %add3A_324 = arith.constant 6 : i32
      %add3A_325 = arith.addi %add3A_227, %add3A_324 : i32
      %dma_start3A_326 = arith.constant 312 : i32
      %dma_start3A_327 = arith.constant 0 : i32
      %dma_start3A_328 = tpu.memref_slice %arg6[%dma_start3A_326, %dma_start3A_327] : memref<416x128xf32, #tpu.memory_space<vmem>> -> memref<52x128xf32, #tpu.memory_space<vmem>>
      %dma_start3A_329 = arith.constant 0 : i32
      %dma_start3A_330 = arith.constant 0 : i32
      %dma_start3A_331 = tpu.memref_slice %arg4[%add3A_325, %dma_start3A_329, %dma_start3A_330] : memref<4096x52x128xf32, #tpu.memory_space<hbm>> -> memref<1x52x128xf32, #tpu.memory_space<hbm>>
      %dma_start3A_332 = tpu.memref_squeeze %dma_start3A_331 : memref<1x52x128xf32, #tpu.memory_space<hbm>> -> memref<52x128xf32, #tpu.memory_space<hbm>>
      %dma_start3A_333 = arith.constant 0 : i32
      %dma_start3A_334 = arith.constant 0 : i32
      %dma_start3A_335 = tpu.memref_slice %arg4[%add3A_325, %dma_start3A_333, %dma_start3A_334] : memref<4096x52x128xf32, #tpu.memory_space<hbm>> -> memref<1x52x128xf32, #tpu.memory_space<hbm>>
      %dma_start3A_336 = tpu.memref_squeeze %dma_start3A_335 : memref<1x52x128xf32, #tpu.memory_space<hbm>> -> memref<52x128xf32, #tpu.memory_space<hbm>>
      %dma_start3A_337 = arith.constant 312 : i32
      %dma_start3A_338 = arith.constant 0 : i32
      %dma_start3A_339 = tpu.memref_slice %arg6[%dma_start3A_337, %dma_start3A_338] : memref<416x128xf32, #tpu.memory_space<vmem>> -> memref<52x128xf32, #tpu.memory_space<vmem>>
      tpu.enqueue_dma source(%dma_start3A_339 : memref<52x128xf32, #tpu.memory_space<vmem>>) target(%dma_start3A_336 : memref<52x128xf32, #tpu.memory_space<hbm>>) target_semaphore(%arg11 : memref<!tpu.dma_semaphore, #tpu.memory_space<semaphore_mem>>)
      %add3A_340 = arith.constant 7 : i32
      %add3A_341 = arith.addi %add3A_227, %add3A_340 : i32
      %dma_start3A_342 = arith.constant 364 : i32
      %dma_start3A_343 = arith.constant 0 : i32
      %dma_start3A_344 = tpu.memref_slice %arg6[%dma_start3A_342, %dma_start3A_343] : memref<416x128xf32, #tpu.memory_space<vmem>> -> memref<52x128xf32, #tpu.memory_space<vmem>>
      %dma_start3A_345 = arith.constant 0 : i32
      %dma_start3A_346 = arith.constant 0 : i32
      %dma_start3A_347 = tpu.memref_slice %arg4[%add3A_341, %dma_start3A_345, %dma_start3A_346] : memref<4096x52x128xf32, #tpu.memory_space<hbm>> -> memref<1x52x128xf32, #tpu.memory_space<hbm>>
      %dma_start3A_348 = tpu.memref_squeeze %dma_start3A_347 : memref<1x52x128xf32, #tpu.memory_space<hbm>> -> memref<52x128xf32, #tpu.memory_space<hbm>>
      %dma_start3A_349 = arith.constant 0 : i32
      %dma_start3A_350 = arith.constant 0 : i32
      %dma_start3A_351 = tpu.memref_slice %arg4[%add3A_341, %dma_start3A_349, %dma_start3A_350] : memref<4096x52x128xf32, #tpu.memory_space<hbm>> -> memref<1x52x128xf32, #tpu.memory_space<hbm>>
      %dma_start3A_352 = tpu.memref_squeeze %dma_start3A_351 : memref<1x52x128xf32, #tpu.memory_space<hbm>> -> memref<52x128xf32, #tpu.memory_space<hbm>>
      %dma_start3A_353 = arith.constant 364 : i32
      %dma_start3A_354 = arith.constant 0 : i32
      %dma_start3A_355 = tpu.memref_slice %arg6[%dma_start3A_353, %dma_start3A_354] : memref<416x128xf32, #tpu.memory_space<vmem>> -> memref<52x128xf32, #tpu.memory_space<vmem>>
      tpu.enqueue_dma source(%dma_start3A_355 : memref<52x128xf32, #tpu.memory_space<vmem>>) target(%dma_start3A_352 : memref<52x128xf32, #tpu.memory_space<hbm>>) target_semaphore(%arg11 : memref<!tpu.dma_semaphore, #tpu.memory_space<semaphore_mem>>)
      %mul3A_356 = arith.constant 2 : i32
      %mul3A_357 = arith.muli %mul3A_356, %scan3A_163 : i32
      %add3A_358 = arith.constant 1 : i32
      %add3A_359 = arith.addi %mul3A_357, %add3A_358 : i32
      %dma_wait3A_360 = arith.constant 0 : i32
      %dma_wait3A_361 = arith.constant 0 : i32
      %dma_wait3A_362 = tpu.memref_slice %arg8[%dma_wait3A_360, %dma_wait3A_361] : memref<416x128xf32, #tpu.memory_space<vmem>> -> memref<128x128xf32, #tpu.memory_space<vmem>>
      %dma_wait3A_363 = arith.constant 0 : i32
      %dma_wait3A_364 = arith.constant 0 : i32
      %dma_wait3A_365 = tpu.memref_slice %arg2[%dma_wait3A_363, %dma_wait3A_364] : memref<101000x128xf32, #tpu.memory_space<hbm>> -> memref<128x128xf32, #tpu.memory_space<hbm>>
      %dma_wait3A_366 = arith.constant 0 : i32
      %dma_wait3A_367 = arith.constant 0 : i32
      %dma_wait3A_368 = tpu.memref_slice %arg8[%dma_wait3A_366, %dma_wait3A_367] : memref<416x128xf32, #tpu.memory_space<vmem>> -> memref<128x128xf32, #tpu.memory_space<vmem>>
      %dma_wait3A_369 = arith.constant 0 : i32
      %dma_wait3A_370 = arith.constant 0 : i32
      %dma_wait3A_371 = tpu.memref_slice %arg2[%dma_wait3A_369, %dma_wait3A_370] : memref<101000x128xf32, #tpu.memory_space<hbm>> -> memref<128x128xf32, #tpu.memory_space<hbm>>
      tpu.wait_dma2 semaphore(%arg10 : memref<!tpu.dma_semaphore, #tpu.memory_space<semaphore_mem>>) src(%dma_wait3A_371 : memref<128x128xf32, #tpu.memory_space<hbm>>) dst(%dma_wait3A_368 : memref<128x128xf32, #tpu.memory_space<vmem>>)
      %dma_wait3A_372 = arith.constant 128 : i32
      %dma_wait3A_373 = arith.constant 0 : i32
      %dma_wait3A_374 = tpu.memref_slice %arg8[%dma_wait3A_372, %dma_wait3A_373] : memref<416x128xf32, #tpu.memory_space<vmem>> -> memref<128x128xf32, #tpu.memory_space<vmem>>
      %dma_wait3A_375 = arith.constant 0 : i32
      %dma_wait3A_376 = arith.constant 0 : i32
      %dma_wait3A_377 = tpu.memref_slice %arg2[%dma_wait3A_375, %dma_wait3A_376] : memref<101000x128xf32, #tpu.memory_space<hbm>> -> memref<128x128xf32, #tpu.memory_space<hbm>>
      %dma_wait3A_378 = arith.constant 128 : i32
      %dma_wait3A_379 = arith.constant 0 : i32
      %dma_wait3A_380 = tpu.memref_slice %arg8[%dma_wait3A_378, %dma_wait3A_379] : memref<416x128xf32, #tpu.memory_space<vmem>> -> memref<128x128xf32, #tpu.memory_space<vmem>>
      %dma_wait3A_381 = arith.constant 0 : i32
      %dma_wait3A_382 = arith.constant 0 : i32
      %dma_wait3A_383 = tpu.memref_slice %arg2[%dma_wait3A_381, %dma_wait3A_382] : memref<101000x128xf32, #tpu.memory_space<hbm>> -> memref<128x128xf32, #tpu.memory_space<hbm>>
      tpu.wait_dma2 semaphore(%arg10 : memref<!tpu.dma_semaphore, #tpu.memory_space<semaphore_mem>>) src(%dma_wait3A_383 : memref<128x128xf32, #tpu.memory_space<hbm>>) dst(%dma_wait3A_380 : memref<128x128xf32, #tpu.memory_space<vmem>>)
      %dma_wait3A_384 = arith.constant 256 : i32
      %dma_wait3A_385 = arith.constant 0 : i32
      %dma_wait3A_386 = tpu.memref_slice %arg8[%dma_wait3A_384, %dma_wait3A_385] : memref<416x128xf32, #tpu.memory_space<vmem>> -> memref<128x128xf32, #tpu.memory_space<vmem>>
      %dma_wait3A_387 = arith.constant 0 : i32
      %dma_wait3A_388 = arith.constant 0 : i32
      %dma_wait3A_389 = tpu.memref_slice %arg2[%dma_wait3A_387, %dma_wait3A_388] : memref<101000x128xf32, #tpu.memory_space<hbm>> -> memref<128x128xf32, #tpu.memory_space<hbm>>
      %dma_wait3A_390 = arith.constant 256 : i32
      %dma_wait3A_391 = arith.constant 0 : i32
      %dma_wait3A_392 = tpu.memref_slice %arg8[%dma_wait3A_390, %dma_wait3A_391] : memref<416x128xf32, #tpu.memory_space<vmem>> -> memref<128x128xf32, #tpu.memory_space<vmem>>
      %dma_wait3A_393 = arith.constant 0 : i32
      %dma_wait3A_394 = arith.constant 0 : i32
      %dma_wait3A_395 = tpu.memref_slice %arg2[%dma_wait3A_393, %dma_wait3A_394] : memref<101000x128xf32, #tpu.memory_space<hbm>> -> memref<128x128xf32, #tpu.memory_space<hbm>>
      tpu.wait_dma2 semaphore(%arg10 : memref<!tpu.dma_semaphore, #tpu.memory_space<semaphore_mem>>) src(%dma_wait3A_395 : memref<128x128xf32, #tpu.memory_space<hbm>>) dst(%dma_wait3A_392 : memref<128x128xf32, #tpu.memory_space<vmem>>)
      %dma_wait3A_396 = arith.constant 384 : i32
      %dma_wait3A_397 = arith.constant 0 : i32
      %dma_wait3A_398 = tpu.memref_slice %arg8[%dma_wait3A_396, %dma_wait3A_397] : memref<416x128xf32, #tpu.memory_space<vmem>> -> memref<32x128xf32, #tpu.memory_space<vmem>>
      %dma_wait3A_399 = arith.constant 0 : i32
      %dma_wait3A_400 = arith.constant 0 : i32
      %dma_wait3A_401 = tpu.memref_slice %arg2[%dma_wait3A_399, %dma_wait3A_400] : memref<101000x128xf32, #tpu.memory_space<hbm>> -> memref<32x128xf32, #tpu.memory_space<hbm>>
      %dma_wait3A_402 = arith.constant 384 : i32
      %dma_wait3A_403 = arith.constant 0 : i32
      %dma_wait3A_404 = tpu.memref_slice %arg8[%dma_wait3A_402, %dma_wait3A_403] : memref<416x128xf32, #tpu.memory_space<vmem>> -> memref<32x128xf32, #tpu.memory_space<vmem>>
      %dma_wait3A_405 = arith.constant 0 : i32
      %dma_wait3A_406 = arith.constant 0 : i32
      %dma_wait3A_407 = tpu.memref_slice %arg2[%dma_wait3A_405, %dma_wait3A_406] : memref<101000x128xf32, #tpu.memory_space<hbm>> -> memref<32x128xf32, #tpu.memory_space<hbm>>
      tpu.wait_dma2 semaphore(%arg10 : memref<!tpu.dma_semaphore, #tpu.memory_space<semaphore_mem>>) src(%dma_wait3A_407 : memref<32x128xf32, #tpu.memory_space<hbm>>) dst(%dma_wait3A_404 : memref<32x128xf32, #tpu.memory_space<vmem>>)
      %ge3A_408 = arith.constant 1 : i32
      %ge3A_409 = arith.cmpi sge, %add3A_359, %ge3A_408 : i32
      %convert_element_type3A_410 = arith.extui %ge3A_409 : i1 to i32
      %cond3A_411 = arith.constant 0 : i32
      %cond3A_412 = arith.cmpi ne, %convert_element_type3A_410, %cond3A_411 : i32
      scf.if %cond3A_412 {
        %dma_wait3A_554 = arith.constant 0 : i32
        %dma_wait3A_555 = arith.constant 0 : i32
        %dma_wait3A_556 = arith.constant 0 : i32
        %dma_wait3A_557 = tpu.memref_slice %arg6[%dma_wait3A_555, %dma_wait3A_556] : memref<416x128xf32, #tpu.memory_space<vmem>> -> memref<52x128xf32, #tpu.memory_space<vmem>>
        %dma_wait3A_558 = arith.constant 0 : i32
        %dma_wait3A_559 = arith.constant 0 : i32
        %dma_wait3A_560 = tpu.memref_slice %arg4[%dma_wait3A_554, %dma_wait3A_558, %dma_wait3A_559] : memref<4096x52x128xf32, #tpu.memory_space<hbm>> -> memref<1x52x128xf32, #tpu.memory_space<hbm>>
        %dma_wait3A_561 = tpu.memref_squeeze %dma_wait3A_560 : memref<1x52x128xf32, #tpu.memory_space<hbm>> -> memref<52x128xf32, #tpu.memory_space<hbm>>
        %dma_wait3A_562 = arith.constant 0 : i32
        %dma_wait3A_563 = arith.constant 0 : i32
        %dma_wait3A_564 = tpu.memref_slice %arg4[%dma_wait3A_554, %dma_wait3A_562, %dma_wait3A_563] : memref<4096x52x128xf32, #tpu.memory_space<hbm>> -> memref<1x52x128xf32, #tpu.memory_space<hbm>>
        %dma_wait3A_565 = tpu.memref_squeeze %dma_wait3A_564 : memref<1x52x128xf32, #tpu.memory_space<hbm>> -> memref<52x128xf32, #tpu.memory_space<hbm>>
        %dma_wait3A_566 = arith.constant 0 : i32
        %dma_wait3A_567 = arith.constant 0 : i32
        %dma_wait3A_568 = tpu.memref_slice %arg6[%dma_wait3A_566, %dma_wait3A_567] : memref<416x128xf32, #tpu.memory_space<vmem>> -> memref<52x128xf32, #tpu.memory_space<vmem>>
        tpu.wait_dma2 semaphore(%arg11 : memref<!tpu.dma_semaphore, #tpu.memory_space<semaphore_mem>>) src(%dma_wait3A_568 : memref<52x128xf32, #tpu.memory_space<vmem>>) dst(%dma_wait3A_565 : memref<52x128xf32, #tpu.memory_space<hbm>>)
        %dma_wait3A_569 = arith.constant 0 : i32
        %dma_wait3A_570 = arith.constant 52 : i32
        %dma_wait3A_571 = arith.constant 0 : i32
        %dma_wait3A_572 = tpu.memref_slice %arg6[%dma_wait3A_570, %dma_wait3A_571] : memref<416x128xf32, #tpu.memory_space<vmem>> -> memref<52x128xf32, #tpu.memory_space<vmem>>
        %dma_wait3A_573 = arith.constant 0 : i32
        %dma_wait3A_574 = arith.constant 0 : i32
        %dma_wait3A_575 = tpu.memref_slice %arg4[%dma_wait3A_569, %dma_wait3A_573, %dma_wait3A_574] : memref<4096x52x128xf32, #tpu.memory_space<hbm>> -> memref<1x52x128xf32, #tpu.memory_space<hbm>>
        %dma_wait3A_576 = tpu.memref_squeeze %dma_wait3A_575 : memref<1x52x128xf32, #tpu.memory_space<hbm>> -> memref<52x128xf32, #tpu.memory_space<hbm>>
        %dma_wait3A_577 = arith.constant 0 : i32
        %dma_wait3A_578 = arith.constant 0 : i32
        %dma_wait3A_579 = tpu.memref_slice %arg4[%dma_wait3A_569, %dma_wait3A_577, %dma_wait3A_578] : memref<4096x52x128xf32, #tpu.memory_space<hbm>> -> memref<1x52x128xf32, #tpu.memory_space<hbm>>
        %dma_wait3A_580 = tpu.memref_squeeze %dma_wait3A_579 : memref<1x52x128xf32, #tpu.memory_space<hbm>> -> memref<52x128xf32, #tpu.memory_space<hbm>>
        %dma_wait3A_581 = arith.constant 52 : i32
        %dma_wait3A_582 = arith.constant 0 : i32
        %dma_wait3A_583 = tpu.memref_slice %arg6[%dma_wait3A_581, %dma_wait3A_582] : memref<416x128xf32, #tpu.memory_space<vmem>> -> memref<52x128xf32, #tpu.memory_space<vmem>>
        tpu.wait_dma2 semaphore(%arg11 : memref<!tpu.dma_semaphore, #tpu.memory_space<semaphore_mem>>) src(%dma_wait3A_583 : memref<52x128xf32, #tpu.memory_space<vmem>>) dst(%dma_wait3A_580 : memref<52x128xf32, #tpu.memory_space<hbm>>)
        %dma_wait3A_584 = arith.constant 0 : i32
        %dma_wait3A_585 = arith.constant 104 : i32
        %dma_wait3A_586 = arith.constant 0 : i32
        %dma_wait3A_587 = tpu.memref_slice %arg6[%dma_wait3A_585, %dma_wait3A_586] : memref<416x128xf32, #tpu.memory_space<vmem>> -> memref<52x128xf32, #tpu.memory_space<vmem>>
        %dma_wait3A_588 = arith.constant 0 : i32
        %dma_wait3A_589 = arith.constant 0 : i32
        %dma_wait3A_590 = tpu.memref_slice %arg4[%dma_wait3A_584, %dma_wait3A_588, %dma_wait3A_589] : memref<4096x52x128xf32, #tpu.memory_space<hbm>> -> memref<1x52x128xf32, #tpu.memory_space<hbm>>
        %dma_wait3A_591 = tpu.memref_squeeze %dma_wait3A_590 : memref<1x52x128xf32, #tpu.memory_space<hbm>> -> memref<52x128xf32, #tpu.memory_space<hbm>>
        %dma_wait3A_592 = arith.constant 0 : i32
        %dma_wait3A_593 = arith.constant 0 : i32
        %dma_wait3A_594 = tpu.memref_slice %arg4[%dma_wait3A_584, %dma_wait3A_592, %dma_wait3A_593] : memref<4096x52x128xf32, #tpu.memory_space<hbm>> -> memref<1x52x128xf32, #tpu.memory_space<hbm>>
        %dma_wait3A_595 = tpu.memref_squeeze %dma_wait3A_594 : memref<1x52x128xf32, #tpu.memory_space<hbm>> -> memref<52x128xf32, #tpu.memory_space<hbm>>
        %dma_wait3A_596 = arith.constant 104 : i32
        %dma_wait3A_597 = arith.constant 0 : i32
        %dma_wait3A_598 = tpu.memref_slice %arg6[%dma_wait3A_596, %dma_wait3A_597] : memref<416x128xf32, #tpu.memory_space<vmem>> -> memref<52x128xf32, #tpu.memory_space<vmem>>
        tpu.wait_dma2 semaphore(%arg11 : memref<!tpu.dma_semaphore, #tpu.memory_space<semaphore_mem>>) src(%dma_wait3A_598 : memref<52x128xf32, #tpu.memory_space<vmem>>) dst(%dma_wait3A_595 : memref<52x128xf32, #tpu.memory_space<hbm>>)
        %dma_wait3A_599 = arith.constant 0 : i32
        %dma_wait3A_600 = arith.constant 156 : i32
        %dma_wait3A_601 = arith.constant 0 : i32
        %dma_wait3A_602 = tpu.memref_slice %arg6[%dma_wait3A_600, %dma_wait3A_601] : memref<416x128xf32, #tpu.memory_space<vmem>> -> memref<52x128xf32, #tpu.memory_space<vmem>>
        %dma_wait3A_603 = arith.constant 0 : i32
        %dma_wait3A_604 = arith.constant 0 : i32
        %dma_wait3A_605 = tpu.memref_slice %arg4[%dma_wait3A_599, %dma_wait3A_603, %dma_wait3A_604] : memref<4096x52x128xf32, #tpu.memory_space<hbm>> -> memref<1x52x128xf32, #tpu.memory_space<hbm>>
        %dma_wait3A_606 = tpu.memref_squeeze %dma_wait3A_605 : memref<1x52x128xf32, #tpu.memory_space<hbm>> -> memref<52x128xf32, #tpu.memory_space<hbm>>
        %dma_wait3A_607 = arith.constant 0 : i32
        %dma_wait3A_608 = arith.constant 0 : i32
        %dma_wait3A_609 = tpu.memref_slice %arg4[%dma_wait3A_599, %dma_wait3A_607, %dma_wait3A_608] : memref<4096x52x128xf32, #tpu.memory_space<hbm>> -> memref<1x52x128xf32, #tpu.memory_space<hbm>>
        %dma_wait3A_610 = tpu.memref_squeeze %dma_wait3A_609 : memref<1x52x128xf32, #tpu.memory_space<hbm>> -> memref<52x128xf32, #tpu.memory_space<hbm>>
        %dma_wait3A_611 = arith.constant 156 : i32
        %dma_wait3A_612 = arith.constant 0 : i32
        %dma_wait3A_613 = tpu.memref_slice %arg6[%dma_wait3A_611, %dma_wait3A_612] : memref<416x128xf32, #tpu.memory_space<vmem>> -> memref<52x128xf32, #tpu.memory_space<vmem>>
        tpu.wait_dma2 semaphore(%arg11 : memref<!tpu.dma_semaphore, #tpu.memory_space<semaphore_mem>>) src(%dma_wait3A_613 : memref<52x128xf32, #tpu.memory_space<vmem>>) dst(%dma_wait3A_610 : memref<52x128xf32, #tpu.memory_space<hbm>>)
        %dma_wait3A_614 = arith.constant 0 : i32
        %dma_wait3A_615 = arith.constant 208 : i32
        %dma_wait3A_616 = arith.constant 0 : i32
        %dma_wait3A_617 = tpu.memref_slice %arg6[%dma_wait3A_615, %dma_wait3A_616] : memref<416x128xf32, #tpu.memory_space<vmem>> -> memref<52x128xf32, #tpu.memory_space<vmem>>
        %dma_wait3A_618 = arith.constant 0 : i32
        %dma_wait3A_619 = arith.constant 0 : i32
        %dma_wait3A_620 = tpu.memref_slice %arg4[%dma_wait3A_614, %dma_wait3A_618, %dma_wait3A_619] : memref<4096x52x128xf32, #tpu.memory_space<hbm>> -> memref<1x52x128xf32, #tpu.memory_space<hbm>>
        %dma_wait3A_621 = tpu.memref_squeeze %dma_wait3A_620 : memref<1x52x128xf32, #tpu.memory_space<hbm>> -> memref<52x128xf32, #tpu.memory_space<hbm>>
        %dma_wait3A_622 = arith.constant 0 : i32
        %dma_wait3A_623 = arith.constant 0 : i32
        %dma_wait3A_624 = tpu.memref_slice %arg4[%dma_wait3A_614, %dma_wait3A_622, %dma_wait3A_623] : memref<4096x52x128xf32, #tpu.memory_space<hbm>> -> memref<1x52x128xf32, #tpu.memory_space<hbm>>
        %dma_wait3A_625 = tpu.memref_squeeze %dma_wait3A_624 : memref<1x52x128xf32, #tpu.memory_space<hbm>> -> memref<52x128xf32, #tpu.memory_space<hbm>>
        %dma_wait3A_626 = arith.constant 208 : i32
        %dma_wait3A_627 = arith.constant 0 : i32
        %dma_wait3A_628 = tpu.memref_slice %arg6[%dma_wait3A_626, %dma_wait3A_627] : memref<416x128xf32, #tpu.memory_space<vmem>> -> memref<52x128xf32, #tpu.memory_space<vmem>>
        tpu.wait_dma2 semaphore(%arg11 : memref<!tpu.dma_semaphore, #tpu.memory_space<semaphore_mem>>) src(%dma_wait3A_628 : memref<52x128xf32, #tpu.memory_space<vmem>>) dst(%dma_wait3A_625 : memref<52x128xf32, #tpu.memory_space<hbm>>)
        %dma_wait3A_629 = arith.constant 0 : i32
        %dma_wait3A_630 = arith.constant 260 : i32
        %dma_wait3A_631 = arith.constant 0 : i32
        %dma_wait3A_632 = tpu.memref_slice %arg6[%dma_wait3A_630, %dma_wait3A_631] : memref<416x128xf32, #tpu.memory_space<vmem>> -> memref<52x128xf32, #tpu.memory_space<vmem>>
        %dma_wait3A_633 = arith.constant 0 : i32
        %dma_wait3A_634 = arith.constant 0 : i32
        %dma_wait3A_635 = tpu.memref_slice %arg4[%dma_wait3A_629, %dma_wait3A_633, %dma_wait3A_634] : memref<4096x52x128xf32, #tpu.memory_space<hbm>> -> memref<1x52x128xf32, #tpu.memory_space<hbm>>
        %dma_wait3A_636 = tpu.memref_squeeze %dma_wait3A_635 : memref<1x52x128xf32, #tpu.memory_space<hbm>> -> memref<52x128xf32, #tpu.memory_space<hbm>>
        %dma_wait3A_637 = arith.constant 0 : i32
        %dma_wait3A_638 = arith.constant 0 : i32
        %dma_wait3A_639 = tpu.memref_slice %arg4[%dma_wait3A_629, %dma_wait3A_637, %dma_wait3A_638] : memref<4096x52x128xf32, #tpu.memory_space<hbm>> -> memref<1x52x128xf32, #tpu.memory_space<hbm>>
        %dma_wait3A_640 = tpu.memref_squeeze %dma_wait3A_639 : memref<1x52x128xf32, #tpu.memory_space<hbm>> -> memref<52x128xf32, #tpu.memory_space<hbm>>
        %dma_wait3A_641 = arith.constant 260 : i32
        %dma_wait3A_642 = arith.constant 0 : i32
        %dma_wait3A_643 = tpu.memref_slice %arg6[%dma_wait3A_641, %dma_wait3A_642] : memref<416x128xf32, #tpu.memory_space<vmem>> -> memref<52x128xf32, #tpu.memory_space<vmem>>
        tpu.wait_dma2 semaphore(%arg11 : memref<!tpu.dma_semaphore, #tpu.memory_space<semaphore_mem>>) src(%dma_wait3A_643 : memref<52x128xf32, #tpu.memory_space<vmem>>) dst(%dma_wait3A_640 : memref<52x128xf32, #tpu.memory_space<hbm>>)
        %dma_wait3A_644 = arith.constant 0 : i32
        %dma_wait3A_645 = arith.constant 312 : i32
        %dma_wait3A_646 = arith.constant 0 : i32
        %dma_wait3A_647 = tpu.memref_slice %arg6[%dma_wait3A_645, %dma_wait3A_646] : memref<416x128xf32, #tpu.memory_space<vmem>> -> memref<52x128xf32, #tpu.memory_space<vmem>>
        %dma_wait3A_648 = arith.constant 0 : i32
        %dma_wait3A_649 = arith.constant 0 : i32
        %dma_wait3A_650 = tpu.memref_slice %arg4[%dma_wait3A_644, %dma_wait3A_648, %dma_wait3A_649] : memref<4096x52x128xf32, #tpu.memory_space<hbm>> -> memref<1x52x128xf32, #tpu.memory_space<hbm>>
        %dma_wait3A_651 = tpu.memref_squeeze %dma_wait3A_650 : memref<1x52x128xf32, #tpu.memory_space<hbm>> -> memref<52x128xf32, #tpu.memory_space<hbm>>
        %dma_wait3A_652 = arith.constant 0 : i32
        %dma_wait3A_653 = arith.constant 0 : i32
        %dma_wait3A_654 = tpu.memref_slice %arg4[%dma_wait3A_644, %dma_wait3A_652, %dma_wait3A_653] : memref<4096x52x128xf32, #tpu.memory_space<hbm>> -> memref<1x52x128xf32, #tpu.memory_space<hbm>>
        %dma_wait3A_655 = tpu.memref_squeeze %dma_wait3A_654 : memref<1x52x128xf32, #tpu.memory_space<hbm>> -> memref<52x128xf32, #tpu.memory_space<hbm>>
        %dma_wait3A_656 = arith.constant 312 : i32
        %dma_wait3A_657 = arith.constant 0 : i32
        %dma_wait3A_658 = tpu.memref_slice %arg6[%dma_wait3A_656, %dma_wait3A_657] : memref<416x128xf32, #tpu.memory_space<vmem>> -> memref<52x128xf32, #tpu.memory_space<vmem>>
        tpu.wait_dma2 semaphore(%arg11 : memref<!tpu.dma_semaphore, #tpu.memory_space<semaphore_mem>>) src(%dma_wait3A_658 : memref<52x128xf32, #tpu.memory_space<vmem>>) dst(%dma_wait3A_655 : memref<52x128xf32, #tpu.memory_space<hbm>>)
        %dma_wait3A_659 = arith.constant 0 : i32
        %dma_wait3A_660 = arith.constant 364 : i32
        %dma_wait3A_661 = arith.constant 0 : i32
        %dma_wait3A_662 = tpu.memref_slice %arg6[%dma_wait3A_660, %dma_wait3A_661] : memref<416x128xf32, #tpu.memory_space<vmem>> -> memref<52x128xf32, #tpu.memory_space<vmem>>
        %dma_wait3A_663 = arith.constant 0 : i32
        %dma_wait3A_664 = arith.constant 0 : i32
        %dma_wait3A_665 = tpu.memref_slice %arg4[%dma_wait3A_659, %dma_wait3A_663, %dma_wait3A_664] : memref<4096x52x128xf32, #tpu.memory_space<hbm>> -> memref<1x52x128xf32, #tpu.memory_space<hbm>>
        %dma_wait3A_666 = tpu.memref_squeeze %dma_wait3A_665 : memref<1x52x128xf32, #tpu.memory_space<hbm>> -> memref<52x128xf32, #tpu.memory_space<hbm>>
        %dma_wait3A_667 = arith.constant 0 : i32
        %dma_wait3A_668 = arith.constant 0 : i32
        %dma_wait3A_669 = tpu.memref_slice %arg4[%dma_wait3A_659, %dma_wait3A_667, %dma_wait3A_668] : memref<4096x52x128xf32, #tpu.memory_space<hbm>> -> memref<1x52x128xf32, #tpu.memory_space<hbm>>
        %dma_wait3A_670 = tpu.memref_squeeze %dma_wait3A_669 : memref<1x52x128xf32, #tpu.memory_space<hbm>> -> memref<52x128xf32, #tpu.memory_space<hbm>>
        %dma_wait3A_671 = arith.constant 364 : i32
        %dma_wait3A_672 = arith.constant 0 : i32
        %dma_wait3A_673 = tpu.memref_slice %arg6[%dma_wait3A_671, %dma_wait3A_672] : memref<416x128xf32, #tpu.memory_space<vmem>> -> memref<52x128xf32, #tpu.memory_space<vmem>>
        tpu.wait_dma2 semaphore(%arg11 : memref<!tpu.dma_semaphore, #tpu.memory_space<semaphore_mem>>) src(%dma_wait3A_673 : memref<52x128xf32, #tpu.memory_space<vmem>>) dst(%dma_wait3A_670 : memref<52x128xf32, #tpu.memory_space<hbm>>)
      } else {
      }
      %add3A_413 = arith.constant 1 : i32
      %add3A_414 = arith.addi %add3A_359, %add3A_413 : i32
      %lt3A_415 = arith.constant 16 : i32
      %lt3A_416 = arith.cmpi slt, %add3A_414, %lt3A_415 : i32
      %convert_element_type3A_417 = arith.extui %lt3A_416 : i1 to i32
      %cond3A_418 = arith.constant 0 : i32
      %cond3A_419 = arith.cmpi ne, %convert_element_type3A_417, %cond3A_418 : i32
      scf.if %cond3A_419 {
        %add3A_554 = arith.constant 1 : i32
        %add3A_555 = arith.addi %add3A_359, %add3A_554 : i32
        %mul3A_556 = arith.constant 128 : i32
        %mul3A_557 = arith.muli %add3A, %mul3A_556 : i32
        %mul3A_558 = arith.constant 8 : i32
        %mul3A_559 = arith.muli %add3A_555, %mul3A_558 : i32
        %add3A_560 = arith.addi %mul3A_557, %mul3A_559 : i32
        %mul3A_561 = arith.constant 52 : i32
        %mul3A_562 = arith.muli %add3A_560, %mul3A_561 : i32
        "tpu.region"() ({
          %run_scoped3A = tpu.sem_alloc : memref<!tpu.dma_semaphore, #tpu.memory_space<semaphore_mem>>
          %dma_start3A_595 = tpu.memref_slice %arg3[%mul3A_562] : memref<212992xi32, #tpu.memory_space<hbm>> -> memref<416xi32, #tpu.memory_space<hbm>>
          %dma_start3A_596 = tpu.memref_slice %arg3[%mul3A_562] : memref<212992xi32, #tpu.memory_space<hbm>> -> memref<416xi32, #tpu.memory_space<hbm>>
          tpu.enqueue_dma source(%dma_start3A_596 : memref<416xi32, #tpu.memory_space<hbm>>) target(%arg5 : memref<416xi32, #tpu.memory_space<vmem>>) target_semaphore(%run_scoped3A : memref<!tpu.dma_semaphore, #tpu.memory_space<semaphore_mem>>)
          %dma_wait3A_597 = tpu.memref_slice %arg3[%mul3A_562] : memref<212992xi32, #tpu.memory_space<hbm>> -> memref<416xi32, #tpu.memory_space<hbm>>
          %dma_wait3A_598 = tpu.memref_slice %arg3[%mul3A_562] : memref<212992xi32, #tpu.memory_space<hbm>> -> memref<416xi32, #tpu.memory_space<hbm>>
          tpu.wait_dma2 semaphore(%run_scoped3A : memref<!tpu.dma_semaphore, #tpu.memory_space<semaphore_mem>>) src(%dma_wait3A_598 : memref<416xi32, #tpu.memory_space<hbm>>) dst(%arg5 : memref<416xi32, #tpu.memory_space<vmem>>)
          tpu.yield
        }) : () -> ()
        %dma_start3A_563 = arith.constant 0 : i32
        %dma_start3A_564 = arith.constant 0 : i32
        %dma_start3A_565 = tpu.memref_slice %arg6[%dma_start3A_563, %dma_start3A_564] : memref<416x128xf32, #tpu.memory_space<vmem>> -> memref<128x128xf32, #tpu.memory_space<vmem>>
        %dma_start3A_566 = arith.constant 0 : i32
        %dma_start3A_567 = tpu.memref_slice %arg5[%dma_start3A_566] : memref<416xi32, #tpu.memory_space<vmem>> -> memref<128xi32, #tpu.memory_space<vmem>>
        %dma_start3A_568 = arith.constant 0 : i32
        %dma_start3A_569 = arith.constant 0 : i32
        %dma_start3A_570 = tpu.memref_slice %arg2[%dma_start3A_568, %dma_start3A_569] : memref<101000x128xf32, #tpu.memory_space<hbm>> -> memref<101000x128xf32, #tpu.memory_space<hbm>>
        tpu.enqueue_indirect_dma source(%dma_start3A_570 : memref<101000x128xf32, #tpu.memory_space<hbm>>) target(%dma_start3A_565 : memref<128x128xf32, #tpu.memory_space<vmem>>) offsets(%dma_start3A_567 : memref<128xi32, #tpu.memory_space<vmem>>) semaphore(%arg9 : memref<!tpu.dma_semaphore, #tpu.memory_space<semaphore_mem>>)
        %dma_start3A_571 = arith.constant 128 : i32
        %dma_start3A_572 = arith.constant 0 : i32
        %dma_start3A_573 = tpu.memref_slice %arg6[%dma_start3A_571, %dma_start3A_572] : memref<416x128xf32, #tpu.memory_space<vmem>> -> memref<128x128xf32, #tpu.memory_space<vmem>>
        %dma_start3A_574 = arith.constant 128 : i32
        %dma_start3A_575 = tpu.memref_slice %arg5[%dma_start3A_574] : memref<416xi32, #tpu.memory_space<vmem>> -> memref<128xi32, #tpu.memory_space<vmem>>
        %dma_start3A_576 = arith.constant 0 : i32
        %dma_start3A_577 = arith.constant 0 : i32
        %dma_start3A_578 = tpu.memref_slice %arg2[%dma_start3A_576, %dma_start3A_577] : memref<101000x128xf32, #tpu.memory_space<hbm>> -> memref<101000x128xf32, #tpu.memory_space<hbm>>
        tpu.enqueue_indirect_dma source(%dma_start3A_578 : memref<101000x128xf32, #tpu.memory_space<hbm>>) target(%dma_start3A_573 : memref<128x128xf32, #tpu.memory_space<vmem>>) offsets(%dma_start3A_575 : memref<128xi32, #tpu.memory_space<vmem>>) semaphore(%arg9 : memref<!tpu.dma_semaphore, #tpu.memory_space<semaphore_mem>>)
        %dma_start3A_579 = arith.constant 256 : i32
        %dma_start3A_580 = arith.constant 0 : i32
        %dma_start3A_581 = tpu.memref_slice %arg6[%dma_start3A_579, %dma_start3A_580] : memref<416x128xf32, #tpu.memory_space<vmem>> -> memref<128x128xf32, #tpu.memory_space<vmem>>
        %dma_start3A_582 = arith.constant 256 : i32
        %dma_start3A_583 = tpu.memref_slice %arg5[%dma_start3A_582] : memref<416xi32, #tpu.memory_space<vmem>> -> memref<128xi32, #tpu.memory_space<vmem>>
        %dma_start3A_584 = arith.constant 0 : i32
        %dma_start3A_585 = arith.constant 0 : i32
        %dma_start3A_586 = tpu.memref_slice %arg2[%dma_start3A_584, %dma_start3A_585] : memref<101000x128xf32, #tpu.memory_space<hbm>> -> memref<101000x128xf32, #tpu.memory_space<hbm>>
        tpu.enqueue_indirect_dma source(%dma_start3A_586 : memref<101000x128xf32, #tpu.memory_space<hbm>>) target(%dma_start3A_581 : memref<128x128xf32, #tpu.memory_space<vmem>>) offsets(%dma_start3A_583 : memref<128xi32, #tpu.memory_space<vmem>>) semaphore(%arg9 : memref<!tpu.dma_semaphore, #tpu.memory_space<semaphore_mem>>)
        %dma_start3A_587 = arith.constant 384 : i32
        %dma_start3A_588 = arith.constant 0 : i32
        %dma_start3A_589 = tpu.memref_slice %arg6[%dma_start3A_587, %dma_start3A_588] : memref<416x128xf32, #tpu.memory_space<vmem>> -> memref<32x128xf32, #tpu.memory_space<vmem>>
        %dma_start3A_590 = arith.constant 384 : i32
        %dma_start3A_591 = tpu.memref_slice %arg5[%dma_start3A_590] : memref<416xi32, #tpu.memory_space<vmem>> -> memref<32xi32, #tpu.memory_space<vmem>>
        %dma_start3A_592 = arith.constant 0 : i32
        %dma_start3A_593 = arith.constant 0 : i32
        %dma_start3A_594 = tpu.memref_slice %arg2[%dma_start3A_592, %dma_start3A_593] : memref<101000x128xf32, #tpu.memory_space<hbm>> -> memref<101000x128xf32, #tpu.memory_space<hbm>>
        tpu.enqueue_indirect_dma source(%dma_start3A_594 : memref<101000x128xf32, #tpu.memory_space<hbm>>) target(%dma_start3A_589 : memref<32x128xf32, #tpu.memory_space<vmem>>) offsets(%dma_start3A_591 : memref<32xi32, #tpu.memory_space<vmem>>) semaphore(%arg9 : memref<!tpu.dma_semaphore, #tpu.memory_space<semaphore_mem>>)
      } else {
      }
      %mul3A_420 = arith.constant 128 : i32
      %mul3A_421 = arith.muli %add3A, %mul3A_420 : i32
      %mul3A_422 = arith.constant 8 : i32
      %mul3A_423 = arith.muli %add3A_359, %mul3A_422 : i32
      %add3A_424 = arith.addi %mul3A_421, %mul3A_423 : i32
      %add3A_425 = arith.constant 0 : i32
      %add3A_426 = arith.addi %add3A_424, %add3A_425 : i32
      %dma_start3A_427 = arith.constant 0 : i32
      %dma_start3A_428 = arith.constant 0 : i32
      %dma_start3A_429 = tpu.memref_slice %arg8[%dma_start3A_427, %dma_start3A_428] : memref<416x128xf32, #tpu.memory_space<vmem>> -> memref<52x128xf32, #tpu.memory_space<vmem>>
      %dma_start3A_430 = arith.constant 0 : i32
      %dma_start3A_431 = arith.constant 0 : i32
      %dma_start3A_432 = tpu.memref_slice %arg4[%add3A_426, %dma_start3A_430, %dma_start3A_431] : memref<4096x52x128xf32, #tpu.memory_space<hbm>> -> memref<1x52x128xf32, #tpu.memory_space<hbm>>
      %dma_start3A_433 = tpu.memref_squeeze %dma_start3A_432 : memref<1x52x128xf32, #tpu.memory_space<hbm>> -> memref<52x128xf32, #tpu.memory_space<hbm>>
      %dma_start3A_434 = arith.constant 0 : i32
      %dma_start3A_435 = arith.constant 0 : i32
      %dma_start3A_436 = tpu.memref_slice %arg4[%add3A_426, %dma_start3A_434, %dma_start3A_435] : memref<4096x52x128xf32, #tpu.memory_space<hbm>> -> memref<1x52x128xf32, #tpu.memory_space<hbm>>
      %dma_start3A_437 = tpu.memref_squeeze %dma_start3A_436 : memref<1x52x128xf32, #tpu.memory_space<hbm>> -> memref<52x128xf32, #tpu.memory_space<hbm>>
      %dma_start3A_438 = arith.constant 0 : i32
      %dma_start3A_439 = arith.constant 0 : i32
      %dma_start3A_440 = tpu.memref_slice %arg8[%dma_start3A_438, %dma_start3A_439] : memref<416x128xf32, #tpu.memory_space<vmem>> -> memref<52x128xf32, #tpu.memory_space<vmem>>
      tpu.enqueue_dma source(%dma_start3A_440 : memref<52x128xf32, #tpu.memory_space<vmem>>) target(%dma_start3A_437 : memref<52x128xf32, #tpu.memory_space<hbm>>) target_semaphore(%arg12 : memref<!tpu.dma_semaphore, #tpu.memory_space<semaphore_mem>>)
      %add3A_441 = arith.constant 1 : i32
      %add3A_442 = arith.addi %add3A_424, %add3A_441 : i32
      %dma_start3A_443 = arith.constant 52 : i32
      %dma_start3A_444 = arith.constant 0 : i32
      %dma_start3A_445 = tpu.memref_slice %arg8[%dma_start3A_443, %dma_start3A_444] : memref<416x128xf32, #tpu.memory_space<vmem>> -> memref<52x128xf32, #tpu.memory_space<vmem>>
      %dma_start3A_446 = arith.constant 0 : i32
      %dma_start3A_447 = arith.constant 0 : i32
      %dma_start3A_448 = tpu.memref_slice %arg4[%add3A_442, %dma_start3A_446, %dma_start3A_447] : memref<4096x52x128xf32, #tpu.memory_space<hbm>> -> memref<1x52x128xf32, #tpu.memory_space<hbm>>
      %dma_start3A_449 = tpu.memref_squeeze %dma_start3A_448 : memref<1x52x128xf32, #tpu.memory_space<hbm>> -> memref<52x128xf32, #tpu.memory_space<hbm>>
      %dma_start3A_450 = arith.constant 0 : i32
      %dma_start3A_451 = arith.constant 0 : i32
      %dma_start3A_452 = tpu.memref_slice %arg4[%add3A_442, %dma_start3A_450, %dma_start3A_451] : memref<4096x52x128xf32, #tpu.memory_space<hbm>> -> memref<1x52x128xf32, #tpu.memory_space<hbm>>
      %dma_start3A_453 = tpu.memref_squeeze %dma_start3A_452 : memref<1x52x128xf32, #tpu.memory_space<hbm>> -> memref<52x128xf32, #tpu.memory_space<hbm>>
      %dma_start3A_454 = arith.constant 52 : i32
      %dma_start3A_455 = arith.constant 0 : i32
      %dma_start3A_456 = tpu.memref_slice %arg8[%dma_start3A_454, %dma_start3A_455] : memref<416x128xf32, #tpu.memory_space<vmem>> -> memref<52x128xf32, #tpu.memory_space<vmem>>
      tpu.enqueue_dma source(%dma_start3A_456 : memref<52x128xf32, #tpu.memory_space<vmem>>) target(%dma_start3A_453 : memref<52x128xf32, #tpu.memory_space<hbm>>) target_semaphore(%arg12 : memref<!tpu.dma_semaphore, #tpu.memory_space<semaphore_mem>>)
      %add3A_457 = arith.constant 2 : i32
      %add3A_458 = arith.addi %add3A_424, %add3A_457 : i32
      %dma_start3A_459 = arith.constant 104 : i32
      %dma_start3A_460 = arith.constant 0 : i32
      %dma_start3A_461 = tpu.memref_slice %arg8[%dma_start3A_459, %dma_start3A_460] : memref<416x128xf32, #tpu.memory_space<vmem>> -> memref<52x128xf32, #tpu.memory_space<vmem>>
      %dma_start3A_462 = arith.constant 0 : i32
      %dma_start3A_463 = arith.constant 0 : i32
      %dma_start3A_464 = tpu.memref_slice %arg4[%add3A_458, %dma_start3A_462, %dma_start3A_463] : memref<4096x52x128xf32, #tpu.memory_space<hbm>> -> memref<1x52x128xf32, #tpu.memory_space<hbm>>
      %dma_start3A_465 = tpu.memref_squeeze %dma_start3A_464 : memref<1x52x128xf32, #tpu.memory_space<hbm>> -> memref<52x128xf32, #tpu.memory_space<hbm>>
      %dma_start3A_466 = arith.constant 0 : i32
      %dma_start3A_467 = arith.constant 0 : i32
      %dma_start3A_468 = tpu.memref_slice %arg4[%add3A_458, %dma_start3A_466, %dma_start3A_467] : memref<4096x52x128xf32, #tpu.memory_space<hbm>> -> memref<1x52x128xf32, #tpu.memory_space<hbm>>
      %dma_start3A_469 = tpu.memref_squeeze %dma_start3A_468 : memref<1x52x128xf32, #tpu.memory_space<hbm>> -> memref<52x128xf32, #tpu.memory_space<hbm>>
      %dma_start3A_470 = arith.constant 104 : i32
      %dma_start3A_471 = arith.constant 0 : i32
      %dma_start3A_472 = tpu.memref_slice %arg8[%dma_start3A_470, %dma_start3A_471] : memref<416x128xf32, #tpu.memory_space<vmem>> -> memref<52x128xf32, #tpu.memory_space<vmem>>
      tpu.enqueue_dma source(%dma_start3A_472 : memref<52x128xf32, #tpu.memory_space<vmem>>) target(%dma_start3A_469 : memref<52x128xf32, #tpu.memory_space<hbm>>) target_semaphore(%arg12 : memref<!tpu.dma_semaphore, #tpu.memory_space<semaphore_mem>>)
      %add3A_473 = arith.constant 3 : i32
      %add3A_474 = arith.addi %add3A_424, %add3A_473 : i32
      %dma_start3A_475 = arith.constant 156 : i32
      %dma_start3A_476 = arith.constant 0 : i32
      %dma_start3A_477 = tpu.memref_slice %arg8[%dma_start3A_475, %dma_start3A_476] : memref<416x128xf32, #tpu.memory_space<vmem>> -> memref<52x128xf32, #tpu.memory_space<vmem>>
      %dma_start3A_478 = arith.constant 0 : i32
      %dma_start3A_479 = arith.constant 0 : i32
      %dma_start3A_480 = tpu.memref_slice %arg4[%add3A_474, %dma_start3A_478, %dma_start3A_479] : memref<4096x52x128xf32, #tpu.memory_space<hbm>> -> memref<1x52x128xf32, #tpu.memory_space<hbm>>
      %dma_start3A_481 = tpu.memref_squeeze %dma_start3A_480 : memref<1x52x128xf32, #tpu.memory_space<hbm>> -> memref<52x128xf32, #tpu.memory_space<hbm>>
      %dma_start3A_482 = arith.constant 0 : i32
      %dma_start3A_483 = arith.constant 0 : i32
      %dma_start3A_484 = tpu.memref_slice %arg4[%add3A_474, %dma_start3A_482, %dma_start3A_483] : memref<4096x52x128xf32, #tpu.memory_space<hbm>> -> memref<1x52x128xf32, #tpu.memory_space<hbm>>
      %dma_start3A_485 = tpu.memref_squeeze %dma_start3A_484 : memref<1x52x128xf32, #tpu.memory_space<hbm>> -> memref<52x128xf32, #tpu.memory_space<hbm>>
      %dma_start3A_486 = arith.constant 156 : i32
      %dma_start3A_487 = arith.constant 0 : i32
      %dma_start3A_488 = tpu.memref_slice %arg8[%dma_start3A_486, %dma_start3A_487] : memref<416x128xf32, #tpu.memory_space<vmem>> -> memref<52x128xf32, #tpu.memory_space<vmem>>
      tpu.enqueue_dma source(%dma_start3A_488 : memref<52x128xf32, #tpu.memory_space<vmem>>) target(%dma_start3A_485 : memref<52x128xf32, #tpu.memory_space<hbm>>) target_semaphore(%arg12 : memref<!tpu.dma_semaphore, #tpu.memory_space<semaphore_mem>>)
      %add3A_489 = arith.constant 4 : i32
      %add3A_490 = arith.addi %add3A_424, %add3A_489 : i32
      %dma_start3A_491 = arith.constant 208 : i32
      %dma_start3A_492 = arith.constant 0 : i32
      %dma_start3A_493 = tpu.memref_slice %arg8[%dma_start3A_491, %dma_start3A_492] : memref<416x128xf32, #tpu.memory_space<vmem>> -> memref<52x128xf32, #tpu.memory_space<vmem>>
      %dma_start3A_494 = arith.constant 0 : i32
      %dma_start3A_495 = arith.constant 0 : i32
      %dma_start3A_496 = tpu.memref_slice %arg4[%add3A_490, %dma_start3A_494, %dma_start3A_495] : memref<4096x52x128xf32, #tpu.memory_space<hbm>> -> memref<1x52x128xf32, #tpu.memory_space<hbm>>
      %dma_start3A_497 = tpu.memref_squeeze %dma_start3A_496 : memref<1x52x128xf32, #tpu.memory_space<hbm>> -> memref<52x128xf32, #tpu.memory_space<hbm>>
      %dma_start3A_498 = arith.constant 0 : i32
      %dma_start3A_499 = arith.constant 0 : i32
      %dma_start3A_500 = tpu.memref_slice %arg4[%add3A_490, %dma_start3A_498, %dma_start3A_499] : memref<4096x52x128xf32, #tpu.memory_space<hbm>> -> memref<1x52x128xf32, #tpu.memory_space<hbm>>
      %dma_start3A_501 = tpu.memref_squeeze %dma_start3A_500 : memref<1x52x128xf32, #tpu.memory_space<hbm>> -> memref<52x128xf32, #tpu.memory_space<hbm>>
      %dma_start3A_502 = arith.constant 208 : i32
      %dma_start3A_503 = arith.constant 0 : i32
      %dma_start3A_504 = tpu.memref_slice %arg8[%dma_start3A_502, %dma_start3A_503] : memref<416x128xf32, #tpu.memory_space<vmem>> -> memref<52x128xf32, #tpu.memory_space<vmem>>
      tpu.enqueue_dma source(%dma_start3A_504 : memref<52x128xf32, #tpu.memory_space<vmem>>) target(%dma_start3A_501 : memref<52x128xf32, #tpu.memory_space<hbm>>) target_semaphore(%arg12 : memref<!tpu.dma_semaphore, #tpu.memory_space<semaphore_mem>>)
      %add3A_505 = arith.constant 5 : i32
      %add3A_506 = arith.addi %add3A_424, %add3A_505 : i32
      %dma_start3A_507 = arith.constant 260 : i32
      %dma_start3A_508 = arith.constant 0 : i32
      %dma_start3A_509 = tpu.memref_slice %arg8[%dma_start3A_507, %dma_start3A_508] : memref<416x128xf32, #tpu.memory_space<vmem>> -> memref<52x128xf32, #tpu.memory_space<vmem>>
      %dma_start3A_510 = arith.constant 0 : i32
      %dma_start3A_511 = arith.constant 0 : i32
      %dma_start3A_512 = tpu.memref_slice %arg4[%add3A_506, %dma_start3A_510, %dma_start3A_511] : memref<4096x52x128xf32, #tpu.memory_space<hbm>> -> memref<1x52x128xf32, #tpu.memory_space<hbm>>
      %dma_start3A_513 = tpu.memref_squeeze %dma_start3A_512 : memref<1x52x128xf32, #tpu.memory_space<hbm>> -> memref<52x128xf32, #tpu.memory_space<hbm>>
      %dma_start3A_514 = arith.constant 0 : i32
      %dma_start3A_515 = arith.constant 0 : i32
      %dma_start3A_516 = tpu.memref_slice %arg4[%add3A_506, %dma_start3A_514, %dma_start3A_515] : memref<4096x52x128xf32, #tpu.memory_space<hbm>> -> memref<1x52x128xf32, #tpu.memory_space<hbm>>
      %dma_start3A_517 = tpu.memref_squeeze %dma_start3A_516 : memref<1x52x128xf32, #tpu.memory_space<hbm>> -> memref<52x128xf32, #tpu.memory_space<hbm>>
      %dma_start3A_518 = arith.constant 260 : i32
      %dma_start3A_519 = arith.constant 0 : i32
      %dma_start3A_520 = tpu.memref_slice %arg8[%dma_start3A_518, %dma_start3A_519] : memref<416x128xf32, #tpu.memory_space<vmem>> -> memref<52x128xf32, #tpu.memory_space<vmem>>
      tpu.enqueue_dma source(%dma_start3A_520 : memref<52x128xf32, #tpu.memory_space<vmem>>) target(%dma_start3A_517 : memref<52x128xf32, #tpu.memory_space<hbm>>) target_semaphore(%arg12 : memref<!tpu.dma_semaphore, #tpu.memory_space<semaphore_mem>>)
      %add3A_521 = arith.constant 6 : i32
      %add3A_522 = arith.addi %add3A_424, %add3A_521 : i32
      %dma_start3A_523 = arith.constant 312 : i32
      %dma_start3A_524 = arith.constant 0 : i32
      %dma_start3A_525 = tpu.memref_slice %arg8[%dma_start3A_523, %dma_start3A_524] : memref<416x128xf32, #tpu.memory_space<vmem>> -> memref<52x128xf32, #tpu.memory_space<vmem>>
      %dma_start3A_526 = arith.constant 0 : i32
      %dma_start3A_527 = arith.constant 0 : i32
      %dma_start3A_528 = tpu.memref_slice %arg4[%add3A_522, %dma_start3A_526, %dma_start3A_527] : memref<4096x52x128xf32, #tpu.memory_space<hbm>> -> memref<1x52x128xf32, #tpu.memory_space<hbm>>
      %dma_start3A_529 = tpu.memref_squeeze %dma_start3A_528 : memref<1x52x128xf32, #tpu.memory_space<hbm>> -> memref<52x128xf32, #tpu.memory_space<hbm>>
      %dma_start3A_530 = arith.constant 0 : i32
      %dma_start3A_531 = arith.constant 0 : i32
      %dma_start3A_532 = tpu.memref_slice %arg4[%add3A_522, %dma_start3A_530, %dma_start3A_531] : memref<4096x52x128xf32, #tpu.memory_space<hbm>> -> memref<1x52x128xf32, #tpu.memory_space<hbm>>
      %dma_start3A_533 = tpu.memref_squeeze %dma_start3A_532 : memref<1x52x128xf32, #tpu.memory_space<hbm>> -> memref<52x128xf32, #tpu.memory_space<hbm>>
      %dma_start3A_534 = arith.constant 312 : i32
      %dma_start3A_535 = arith.constant 0 : i32
      %dma_start3A_536 = tpu.memref_slice %arg8[%dma_start3A_534, %dma_start3A_535] : memref<416x128xf32, #tpu.memory_space<vmem>> -> memref<52x128xf32, #tpu.memory_space<vmem>>
      tpu.enqueue_dma source(%dma_start3A_536 : memref<52x128xf32, #tpu.memory_space<vmem>>) target(%dma_start3A_533 : memref<52x128xf32, #tpu.memory_space<hbm>>) target_semaphore(%arg12 : memref<!tpu.dma_semaphore, #tpu.memory_space<semaphore_mem>>)
      %add3A_537 = arith.constant 7 : i32
      %add3A_538 = arith.addi %add3A_424, %add3A_537 : i32
      %dma_start3A_539 = arith.constant 364 : i32
      %dma_start3A_540 = arith.constant 0 : i32
      %dma_start3A_541 = tpu.memref_slice %arg8[%dma_start3A_539, %dma_start3A_540] : memref<416x128xf32, #tpu.memory_space<vmem>> -> memref<52x128xf32, #tpu.memory_space<vmem>>
      %dma_start3A_542 = arith.constant 0 : i32
      %dma_start3A_543 = arith.constant 0 : i32
      %dma_start3A_544 = tpu.memref_slice %arg4[%add3A_538, %dma_start3A_542, %dma_start3A_543] : memref<4096x52x128xf32, #tpu.memory_space<hbm>> -> memref<1x52x128xf32, #tpu.memory_space<hbm>>
      %dma_start3A_545 = tpu.memref_squeeze %dma_start3A_544 : memref<1x52x128xf32, #tpu.memory_space<hbm>> -> memref<52x128xf32, #tpu.memory_space<hbm>>
      %dma_start3A_546 = arith.constant 0 : i32
      %dma_start3A_547 = arith.constant 0 : i32
      %dma_start3A_548 = tpu.memref_slice %arg4[%add3A_538, %dma_start3A_546, %dma_start3A_547] : memref<4096x52x128xf32, #tpu.memory_space<hbm>> -> memref<1x52x128xf32, #tpu.memory_space<hbm>>
      %dma_start3A_549 = tpu.memref_squeeze %dma_start3A_548 : memref<1x52x128xf32, #tpu.memory_space<hbm>> -> memref<52x128xf32, #tpu.memory_space<hbm>>
      %dma_start3A_550 = arith.constant 364 : i32
      %dma_start3A_551 = arith.constant 0 : i32
      %dma_start3A_552 = tpu.memref_slice %arg8[%dma_start3A_550, %dma_start3A_551] : memref<416x128xf32, #tpu.memory_space<vmem>> -> memref<52x128xf32, #tpu.memory_space<vmem>>
      tpu.enqueue_dma source(%dma_start3A_552 : memref<52x128xf32, #tpu.memory_space<vmem>>) target(%dma_start3A_549 : memref<52x128xf32, #tpu.memory_space<hbm>>) target_semaphore(%arg12 : memref<!tpu.dma_semaphore, #tpu.memory_space<semaphore_mem>>)
      %scan3A_553 = arith.constant 0 : i32
      scf.yield %scan3A_553 : i32
    }
    %scan3A_43 = arith.constant 8 : i32
    %dma_wait3A = arith.constant 0 : i32
    %dma_wait3A_44 = arith.constant 0 : i32
    %dma_wait3A_45 = arith.constant 0 : i32
    %dma_wait3A_46 = tpu.memref_slice %arg8[%dma_wait3A_44, %dma_wait3A_45] : memref<416x128xf32, #tpu.memory_space<vmem>> -> memref<52x128xf32, #tpu.memory_space<vmem>>
    %dma_wait3A_47 = arith.constant 0 : i32
    %dma_wait3A_48 = arith.constant 0 : i32
    %dma_wait3A_49 = tpu.memref_slice %arg4[%dma_wait3A, %dma_wait3A_47, %dma_wait3A_48] : memref<4096x52x128xf32, #tpu.memory_space<hbm>> -> memref<1x52x128xf32, #tpu.memory_space<hbm>>
    %dma_wait3A_50 = tpu.memref_squeeze %dma_wait3A_49 : memref<1x52x128xf32, #tpu.memory_space<hbm>> -> memref<52x128xf32, #tpu.memory_space<hbm>>
    %dma_wait3A_51 = arith.constant 0 : i32
    %dma_wait3A_52 = arith.constant 0 : i32
    %dma_wait3A_53 = tpu.memref_slice %arg4[%dma_wait3A, %dma_wait3A_51, %dma_wait3A_52] : memref<4096x52x128xf32, #tpu.memory_space<hbm>> -> memref<1x52x128xf32, #tpu.memory_space<hbm>>
    %dma_wait3A_54 = tpu.memref_squeeze %dma_wait3A_53 : memref<1x52x128xf32, #tpu.memory_space<hbm>> -> memref<52x128xf32, #tpu.memory_space<hbm>>
    %dma_wait3A_55 = arith.constant 0 : i32
    %dma_wait3A_56 = arith.constant 0 : i32
    %dma_wait3A_57 = tpu.memref_slice %arg8[%dma_wait3A_55, %dma_wait3A_56] : memref<416x128xf32, #tpu.memory_space<vmem>> -> memref<52x128xf32, #tpu.memory_space<vmem>>
    tpu.wait_dma2 semaphore(%arg12 : memref<!tpu.dma_semaphore, #tpu.memory_space<semaphore_mem>>) src(%dma_wait3A_57 : memref<52x128xf32, #tpu.memory_space<vmem>>) dst(%dma_wait3A_54 : memref<52x128xf32, #tpu.memory_space<hbm>>)
    %dma_wait3A_58 = arith.constant 0 : i32
    %dma_wait3A_59 = arith.constant 52 : i32
    %dma_wait3A_60 = arith.constant 0 : i32
    %dma_wait3A_61 = tpu.memref_slice %arg8[%dma_wait3A_59, %dma_wait3A_60] : memref<416x128xf32, #tpu.memory_space<vmem>> -> memref<52x128xf32, #tpu.memory_space<vmem>>
    %dma_wait3A_62 = arith.constant 0 : i32
    %dma_wait3A_63 = arith.constant 0 : i32
    %dma_wait3A_64 = tpu.memref_slice %arg4[%dma_wait3A_58, %dma_wait3A_62, %dma_wait3A_63] : memref<4096x52x128xf32, #tpu.memory_space<hbm>> -> memref<1x52x128xf32, #tpu.memory_space<hbm>>
    %dma_wait3A_65 = tpu.memref_squeeze %dma_wait3A_64 : memref<1x52x128xf32, #tpu.memory_space<hbm>> -> memref<52x128xf32, #tpu.memory_space<hbm>>
    %dma_wait3A_66 = arith.constant 0 : i32
    %dma_wait3A_67 = arith.constant 0 : i32
    %dma_wait3A_68 = tpu.memref_slice %arg4[%dma_wait3A_58, %dma_wait3A_66, %dma_wait3A_67] : memref<4096x52x128xf32, #tpu.memory_space<hbm>> -> memref<1x52x128xf32, #tpu.memory_space<hbm>>
    %dma_wait3A_69 = tpu.memref_squeeze %dma_wait3A_68 : memref<1x52x128xf32, #tpu.memory_space<hbm>> -> memref<52x128xf32, #tpu.memory_space<hbm>>
    %dma_wait3A_70 = arith.constant 52 : i32
    %dma_wait3A_71 = arith.constant 0 : i32
    %dma_wait3A_72 = tpu.memref_slice %arg8[%dma_wait3A_70, %dma_wait3A_71] : memref<416x128xf32, #tpu.memory_space<vmem>> -> memref<52x128xf32, #tpu.memory_space<vmem>>
    tpu.wait_dma2 semaphore(%arg12 : memref<!tpu.dma_semaphore, #tpu.memory_space<semaphore_mem>>) src(%dma_wait3A_72 : memref<52x128xf32, #tpu.memory_space<vmem>>) dst(%dma_wait3A_69 : memref<52x128xf32, #tpu.memory_space<hbm>>)
    %dma_wait3A_73 = arith.constant 0 : i32
    %dma_wait3A_74 = arith.constant 104 : i32
    %dma_wait3A_75 = arith.constant 0 : i32
    %dma_wait3A_76 = tpu.memref_slice %arg8[%dma_wait3A_74, %dma_wait3A_75] : memref<416x128xf32, #tpu.memory_space<vmem>> -> memref<52x128xf32, #tpu.memory_space<vmem>>
    %dma_wait3A_77 = arith.constant 0 : i32
    %dma_wait3A_78 = arith.constant 0 : i32
    %dma_wait3A_79 = tpu.memref_slice %arg4[%dma_wait3A_73, %dma_wait3A_77, %dma_wait3A_78] : memref<4096x52x128xf32, #tpu.memory_space<hbm>> -> memref<1x52x128xf32, #tpu.memory_space<hbm>>
    %dma_wait3A_80 = tpu.memref_squeeze %dma_wait3A_79 : memref<1x52x128xf32, #tpu.memory_space<hbm>> -> memref<52x128xf32, #tpu.memory_space<hbm>>
    %dma_wait3A_81 = arith.constant 0 : i32
    %dma_wait3A_82 = arith.constant 0 : i32
    %dma_wait3A_83 = tpu.memref_slice %arg4[%dma_wait3A_73, %dma_wait3A_81, %dma_wait3A_82] : memref<4096x52x128xf32, #tpu.memory_space<hbm>> -> memref<1x52x128xf32, #tpu.memory_space<hbm>>
    %dma_wait3A_84 = tpu.memref_squeeze %dma_wait3A_83 : memref<1x52x128xf32, #tpu.memory_space<hbm>> -> memref<52x128xf32, #tpu.memory_space<hbm>>
    %dma_wait3A_85 = arith.constant 104 : i32
    %dma_wait3A_86 = arith.constant 0 : i32
    %dma_wait3A_87 = tpu.memref_slice %arg8[%dma_wait3A_85, %dma_wait3A_86] : memref<416x128xf32, #tpu.memory_space<vmem>> -> memref<52x128xf32, #tpu.memory_space<vmem>>
    tpu.wait_dma2 semaphore(%arg12 : memref<!tpu.dma_semaphore, #tpu.memory_space<semaphore_mem>>) src(%dma_wait3A_87 : memref<52x128xf32, #tpu.memory_space<vmem>>) dst(%dma_wait3A_84 : memref<52x128xf32, #tpu.memory_space<hbm>>)
    %dma_wait3A_88 = arith.constant 0 : i32
    %dma_wait3A_89 = arith.constant 156 : i32
    %dma_wait3A_90 = arith.constant 0 : i32
    %dma_wait3A_91 = tpu.memref_slice %arg8[%dma_wait3A_89, %dma_wait3A_90] : memref<416x128xf32, #tpu.memory_space<vmem>> -> memref<52x128xf32, #tpu.memory_space<vmem>>
    %dma_wait3A_92 = arith.constant 0 : i32
    %dma_wait3A_93 = arith.constant 0 : i32
    %dma_wait3A_94 = tpu.memref_slice %arg4[%dma_wait3A_88, %dma_wait3A_92, %dma_wait3A_93] : memref<4096x52x128xf32, #tpu.memory_space<hbm>> -> memref<1x52x128xf32, #tpu.memory_space<hbm>>
    %dma_wait3A_95 = tpu.memref_squeeze %dma_wait3A_94 : memref<1x52x128xf32, #tpu.memory_space<hbm>> -> memref<52x128xf32, #tpu.memory_space<hbm>>
    %dma_wait3A_96 = arith.constant 0 : i32
    %dma_wait3A_97 = arith.constant 0 : i32
    %dma_wait3A_98 = tpu.memref_slice %arg4[%dma_wait3A_88, %dma_wait3A_96, %dma_wait3A_97] : memref<4096x52x128xf32, #tpu.memory_space<hbm>> -> memref<1x52x128xf32, #tpu.memory_space<hbm>>
    %dma_wait3A_99 = tpu.memref_squeeze %dma_wait3A_98 : memref<1x52x128xf32, #tpu.memory_space<hbm>> -> memref<52x128xf32, #tpu.memory_space<hbm>>
    %dma_wait3A_100 = arith.constant 156 : i32
    %dma_wait3A_101 = arith.constant 0 : i32
    %dma_wait3A_102 = tpu.memref_slice %arg8[%dma_wait3A_100, %dma_wait3A_101] : memref<416x128xf32, #tpu.memory_space<vmem>> -> memref<52x128xf32, #tpu.memory_space<vmem>>
    tpu.wait_dma2 semaphore(%arg12 : memref<!tpu.dma_semaphore, #tpu.memory_space<semaphore_mem>>) src(%dma_wait3A_102 : memref<52x128xf32, #tpu.memory_space<vmem>>) dst(%dma_wait3A_99 : memref<52x128xf32, #tpu.memory_space<hbm>>)
    %dma_wait3A_103 = arith.constant 0 : i32
    %dma_wait3A_104 = arith.constant 208 : i32
    %dma_wait3A_105 = arith.constant 0 : i32
    %dma_wait3A_106 = tpu.memref_slice %arg8[%dma_wait3A_104, %dma_wait3A_105] : memref<416x128xf32, #tpu.memory_space<vmem>> -> memref<52x128xf32, #tpu.memory_space<vmem>>
    %dma_wait3A_107 = arith.constant 0 : i32
    %dma_wait3A_108 = arith.constant 0 : i32
    %dma_wait3A_109 = tpu.memref_slice %arg4[%dma_wait3A_103, %dma_wait3A_107, %dma_wait3A_108] : memref<4096x52x128xf32, #tpu.memory_space<hbm>> -> memref<1x52x128xf32, #tpu.memory_space<hbm>>
    %dma_wait3A_110 = tpu.memref_squeeze %dma_wait3A_109 : memref<1x52x128xf32, #tpu.memory_space<hbm>> -> memref<52x128xf32, #tpu.memory_space<hbm>>
    %dma_wait3A_111 = arith.constant 0 : i32
    %dma_wait3A_112 = arith.constant 0 : i32
    %dma_wait3A_113 = tpu.memref_slice %arg4[%dma_wait3A_103, %dma_wait3A_111, %dma_wait3A_112] : memref<4096x52x128xf32, #tpu.memory_space<hbm>> -> memref<1x52x128xf32, #tpu.memory_space<hbm>>
    %dma_wait3A_114 = tpu.memref_squeeze %dma_wait3A_113 : memref<1x52x128xf32, #tpu.memory_space<hbm>> -> memref<52x128xf32, #tpu.memory_space<hbm>>
    %dma_wait3A_115 = arith.constant 208 : i32
    %dma_wait3A_116 = arith.constant 0 : i32
    %dma_wait3A_117 = tpu.memref_slice %arg8[%dma_wait3A_115, %dma_wait3A_116] : memref<416x128xf32, #tpu.memory_space<vmem>> -> memref<52x128xf32, #tpu.memory_space<vmem>>
    tpu.wait_dma2 semaphore(%arg12 : memref<!tpu.dma_semaphore, #tpu.memory_space<semaphore_mem>>) src(%dma_wait3A_117 : memref<52x128xf32, #tpu.memory_space<vmem>>) dst(%dma_wait3A_114 : memref<52x128xf32, #tpu.memory_space<hbm>>)
    %dma_wait3A_118 = arith.constant 0 : i32
    %dma_wait3A_119 = arith.constant 260 : i32
    %dma_wait3A_120 = arith.constant 0 : i32
    %dma_wait3A_121 = tpu.memref_slice %arg8[%dma_wait3A_119, %dma_wait3A_120] : memref<416x128xf32, #tpu.memory_space<vmem>> -> memref<52x128xf32, #tpu.memory_space<vmem>>
    %dma_wait3A_122 = arith.constant 0 : i32
    %dma_wait3A_123 = arith.constant 0 : i32
    %dma_wait3A_124 = tpu.memref_slice %arg4[%dma_wait3A_118, %dma_wait3A_122, %dma_wait3A_123] : memref<4096x52x128xf32, #tpu.memory_space<hbm>> -> memref<1x52x128xf32, #tpu.memory_space<hbm>>
    %dma_wait3A_125 = tpu.memref_squeeze %dma_wait3A_124 : memref<1x52x128xf32, #tpu.memory_space<hbm>> -> memref<52x128xf32, #tpu.memory_space<hbm>>
    %dma_wait3A_126 = arith.constant 0 : i32
    %dma_wait3A_127 = arith.constant 0 : i32
    %dma_wait3A_128 = tpu.memref_slice %arg4[%dma_wait3A_118, %dma_wait3A_126, %dma_wait3A_127] : memref<4096x52x128xf32, #tpu.memory_space<hbm>> -> memref<1x52x128xf32, #tpu.memory_space<hbm>>
    %dma_wait3A_129 = tpu.memref_squeeze %dma_wait3A_128 : memref<1x52x128xf32, #tpu.memory_space<hbm>> -> memref<52x128xf32, #tpu.memory_space<hbm>>
    %dma_wait3A_130 = arith.constant 260 : i32
    %dma_wait3A_131 = arith.constant 0 : i32
    %dma_wait3A_132 = tpu.memref_slice %arg8[%dma_wait3A_130, %dma_wait3A_131] : memref<416x128xf32, #tpu.memory_space<vmem>> -> memref<52x128xf32, #tpu.memory_space<vmem>>
    tpu.wait_dma2 semaphore(%arg12 : memref<!tpu.dma_semaphore, #tpu.memory_space<semaphore_mem>>) src(%dma_wait3A_132 : memref<52x128xf32, #tpu.memory_space<vmem>>) dst(%dma_wait3A_129 : memref<52x128xf32, #tpu.memory_space<hbm>>)
    %dma_wait3A_133 = arith.constant 0 : i32
    %dma_wait3A_134 = arith.constant 312 : i32
    %dma_wait3A_135 = arith.constant 0 : i32
    %dma_wait3A_136 = tpu.memref_slice %arg8[%dma_wait3A_134, %dma_wait3A_135] : memref<416x128xf32, #tpu.memory_space<vmem>> -> memref<52x128xf32, #tpu.memory_space<vmem>>
    %dma_wait3A_137 = arith.constant 0 : i32
    %dma_wait3A_138 = arith.constant 0 : i32
    %dma_wait3A_139 = tpu.memref_slice %arg4[%dma_wait3A_133, %dma_wait3A_137, %dma_wait3A_138] : memref<4096x52x128xf32, #tpu.memory_space<hbm>> -> memref<1x52x128xf32, #tpu.memory_space<hbm>>
    %dma_wait3A_140 = tpu.memref_squeeze %dma_wait3A_139 : memref<1x52x128xf32, #tpu.memory_space<hbm>> -> memref<52x128xf32, #tpu.memory_space<hbm>>
    %dma_wait3A_141 = arith.constant 0 : i32
    %dma_wait3A_142 = arith.constant 0 : i32
    %dma_wait3A_143 = tpu.memref_slice %arg4[%dma_wait3A_133, %dma_wait3A_141, %dma_wait3A_142] : memref<4096x52x128xf32, #tpu.memory_space<hbm>> -> memref<1x52x128xf32, #tpu.memory_space<hbm>>
    %dma_wait3A_144 = tpu.memref_squeeze %dma_wait3A_143 : memref<1x52x128xf32, #tpu.memory_space<hbm>> -> memref<52x128xf32, #tpu.memory_space<hbm>>
    %dma_wait3A_145 = arith.constant 312 : i32
    %dma_wait3A_146 = arith.constant 0 : i32
    %dma_wait3A_147 = tpu.memref_slice %arg8[%dma_wait3A_145, %dma_wait3A_146] : memref<416x128xf32, #tpu.memory_space<vmem>> -> memref<52x128xf32, #tpu.memory_space<vmem>>
    tpu.wait_dma2 semaphore(%arg12 : memref<!tpu.dma_semaphore, #tpu.memory_space<semaphore_mem>>) src(%dma_wait3A_147 : memref<52x128xf32, #tpu.memory_space<vmem>>) dst(%dma_wait3A_144 : memref<52x128xf32, #tpu.memory_space<hbm>>)
    %dma_wait3A_148 = arith.constant 0 : i32
    %dma_wait3A_149 = arith.constant 364 : i32
    %dma_wait3A_150 = arith.constant 0 : i32
    %dma_wait3A_151 = tpu.memref_slice %arg8[%dma_wait3A_149, %dma_wait3A_150] : memref<416x128xf32, #tpu.memory_space<vmem>> -> memref<52x128xf32, #tpu.memory_space<vmem>>
    %dma_wait3A_152 = arith.constant 0 : i32
    %dma_wait3A_153 = arith.constant 0 : i32
    %dma_wait3A_154 = tpu.memref_slice %arg4[%dma_wait3A_148, %dma_wait3A_152, %dma_wait3A_153] : memref<4096x52x128xf32, #tpu.memory_space<hbm>> -> memref<1x52x128xf32, #tpu.memory_space<hbm>>
    %dma_wait3A_155 = tpu.memref_squeeze %dma_wait3A_154 : memref<1x52x128xf32, #tpu.memory_space<hbm>> -> memref<52x128xf32, #tpu.memory_space<hbm>>
    %dma_wait3A_156 = arith.constant 0 : i32
    %dma_wait3A_157 = arith.constant 0 : i32
    %dma_wait3A_158 = tpu.memref_slice %arg4[%dma_wait3A_148, %dma_wait3A_156, %dma_wait3A_157] : memref<4096x52x128xf32, #tpu.memory_space<hbm>> -> memref<1x52x128xf32, #tpu.memory_space<hbm>>
    %dma_wait3A_159 = tpu.memref_squeeze %dma_wait3A_158 : memref<1x52x128xf32, #tpu.memory_space<hbm>> -> memref<52x128xf32, #tpu.memory_space<hbm>>
    %dma_wait3A_160 = arith.constant 364 : i32
    %dma_wait3A_161 = arith.constant 0 : i32
    %dma_wait3A_162 = tpu.memref_slice %arg8[%dma_wait3A_160, %dma_wait3A_161] : memref<416x128xf32, #tpu.memory_space<vmem>> -> memref<52x128xf32, #tpu.memory_space<vmem>>
    tpu.wait_dma2 semaphore(%arg12 : memref<!tpu.dma_semaphore, #tpu.memory_space<semaphore_mem>>) src(%dma_wait3A_162 : memref<52x128xf32, #tpu.memory_space<vmem>>) dst(%dma_wait3A_159 : memref<52x128xf32, #tpu.memory_space<hbm>>)
    return
  }
}

module attributes {stable_mosaic.version = 14 : i64} {
  func.func @_table_body(%arg0: i32, %arg1: memref<1000x128xf32, #tpu.memory_space<vmem>>, %arg2: memref<1000x128xf32, #tpu.memory_space<vmem>>, %arg3: memref<128x128xf32, #tpu.memory_space<vmem>>, %arg4: memref<128x128xf32, #tpu.memory_space<vmem>>, %arg5: memref<1x128xf32, #tpu.memory_space<vmem>>, %arg6: memref<1x128xf32, #tpu.memory_space<vmem>>, %arg7: memref<1x128xf32, #tpu.memory_space<vmem>>, %arg8: memref<1x128xf32, #tpu.memory_space<vmem>>, %arg9: memref<1000x128xf32, #tpu.memory_space<vmem>>) attributes {dimension_semantics = [#tpu.dimension_semantics<arbitrary>], iteration_bounds = array<i64: 101>, scalar_prefetch = 0 : i64, scratch_operands = 0 : i64, tpu.core_type = #tpu.core_type<tc>, window_params = [{pipeline_mode = #tpu.pipeline_mode<synchronous>, transform_indices = @transform_0, window_bounds = array<i64: 1000, 128>}, {transform_indices = @transform_1, window_bounds = array<i64: 1000, 128>}, {pipeline_mode = #tpu.pipeline_mode<synchronous>, transform_indices = @transform_2, window_bounds = array<i64: 128, 128>}, {pipeline_mode = #tpu.pipeline_mode<synchronous>, transform_indices = @transform_3, window_bounds = array<i64: 128, 128>}, {pipeline_mode = #tpu.pipeline_mode<synchronous>, transform_indices = @transform_4, window_bounds = array<i64: 1, 128>}, {pipeline_mode = #tpu.pipeline_mode<synchronous>, transform_indices = @transform_5, window_bounds = array<i64: 1, 128>}, {pipeline_mode = #tpu.pipeline_mode<synchronous>, transform_indices = @transform_6, window_bounds = array<i64: 1, 128>}, {pipeline_mode = #tpu.pipeline_mode<synchronous>, transform_indices = @transform_7, window_bounds = array<i64: 1, 128>}, {transform_indices = @transform_8, window_bounds = array<i64: 1000, 128>}]} {
    %eq3A = arith.constant 0 : i32
    %eq3A_0 = arith.cmpi eq, %arg0, %eq3A : i32
    %get3A = arith.constant 0 : index
    %get3A_1 = arith.constant 0 : index
    %get3A_2 = vector.load %arg1[%get3A, %get3A_1] : memref<1000x128xf32, #tpu.memory_space<vmem>>, vector<1000x128xf32>
    %get3A_3 = arith.constant 0 : index
    %get3A_4 = arith.constant 0 : index
    %get3A_5 = vector.load %arg2[%get3A_3, %get3A_4] : memref<1000x128xf32, #tpu.memory_space<vmem>>, vector<1000x128xf32>
    %select_n3A = arith.select %eq3A_0, %get3A_2, %get3A_5 : vector<1000x128xf32>
    %get3A_6 = arith.constant 0 : index
    %get3A_7 = arith.constant 0 : index
    %get3A_8 = vector.load %arg3[%get3A_6, %get3A_7] : memref<128x128xf32, #tpu.memory_space<vmem>>, vector<128x128xf32>
    %get3A_9 = arith.constant 0 : index
    %get3A_10 = arith.constant 0 : index
    %get3A_11 = vector.load %arg4[%get3A_9, %get3A_10] : memref<128x128xf32, #tpu.memory_space<vmem>>, vector<128x128xf32>
    %select_n3A_12 = arith.select %eq3A_0, %get3A_8, %get3A_11 : vector<128x128xf32>
    %get3A_13 = arith.constant 0 : index
    %get3A_14 = arith.constant 0 : index
    %get3A_15 = vector.load %arg5[%get3A_13, %get3A_14] : memref<1x128xf32, #tpu.memory_space<vmem>>, vector<1x128xf32>
    %get3A_16 = arith.constant 0 : index
    %get3A_17 = arith.constant 0 : index
    %get3A_18 = vector.load %arg6[%get3A_16, %get3A_17] : memref<1x128xf32, #tpu.memory_space<vmem>>, vector<1x128xf32>
    %select_n3A_19 = arith.select %eq3A_0, %get3A_15, %get3A_18 : vector<1x128xf32>
    %dot_general3A = arith.constant dense<0.000000e+00> : vector<1000x128xf32>
    %dot_general3A_20 = tpu.matmul %select_n3A, %select_n3A_12, %dot_general3A {dimension_numbers = #tpu.dot_dimension_numbers<[1], [1], [0], [0], [0, 0, 1, 0], [], []>, transpose_lhs_hint = false} : vector<1000x128xf32>, vector<128x128xf32>, vector<1000x128xf32> -> vector<1000x128xf32>
    %add3A = vector.broadcast %select_n3A_19 : vector<1x128xf32> to vector<1000x128xf32>
    %add3A_21 = arith.addf %dot_general3A_20, %add3A : vector<1000x128xf32>
    %reduce_sum3A = arith.constant dense<0.000000e+00> : vector<1000xf32>
    %reduce_sum3A_22 = vector.multi_reduction <add>, %add3A_21, %reduce_sum3A [1] : vector<1000x128xf32> to vector<1000xf32>
    %broadcast_in_dim3A = vector.shape_cast %reduce_sum3A_22 : vector<1000xf32> to vector<1000x1xf32>
    %div3A = arith.constant 1.280000e+02 : f32
    %div3A_23 = vector.broadcast %div3A : f32 to vector<1000x1xf32>
    %div3A_24 = arith.divf %broadcast_in_dim3A, %div3A_23 : vector<1000x1xf32>
    %sub3A = vector.broadcast %div3A_24 : vector<1000x1xf32> to vector<1000x128xf32>
    %sub3A_25 = arith.subf %add3A_21, %sub3A : vector<1000x128xf32>
    %mul3A = arith.mulf %sub3A_25, %sub3A_25 : vector<1000x128xf32>
    %reduce_sum3A_26 = arith.constant dense<0.000000e+00> : vector<1000xf32>
    %reduce_sum3A_27 = vector.multi_reduction <add>, %mul3A, %reduce_sum3A_26 [1] : vector<1000x128xf32> to vector<1000xf32>
    %broadcast_in_dim3A_28 = vector.shape_cast %reduce_sum3A_27 : vector<1000xf32> to vector<1000x1xf32>
    %div3A_29 = arith.constant 1.280000e+02 : f32
    %div3A_30 = vector.broadcast %div3A_29 : f32 to vector<1000x1xf32>
    %div3A_31 = arith.divf %broadcast_in_dim3A_28, %div3A_30 : vector<1000x1xf32>
    %add3A_32 = arith.constant 9.99999996E-13 : f32
    %add3A_33 = vector.broadcast %add3A_32 : f32 to vector<1000x1xf32>
    %add3A_34 = arith.addf %div3A_31, %add3A_33 : vector<1000x1xf32>
    %rsqrt3A = math.rsqrt %add3A_34 : vector<1000x1xf32>
    %mul3A_35 = vector.broadcast %rsqrt3A : vector<1000x1xf32> to vector<1000x128xf32>
    %mul3A_36 = arith.mulf %sub3A_25, %mul3A_35 : vector<1000x128xf32>
    %get3A_37 = arith.constant 0 : index
    %get3A_38 = arith.constant 0 : index
    %get3A_39 = vector.load %arg7[%get3A_37, %get3A_38] : memref<1x128xf32, #tpu.memory_space<vmem>>, vector<1x128xf32>
    %mul3A_40 = vector.broadcast %get3A_39 : vector<1x128xf32> to vector<1000x128xf32>
    %mul3A_41 = arith.mulf %mul3A_36, %mul3A_40 : vector<1000x128xf32>
    %get3A_42 = arith.constant 0 : index
    %get3A_43 = arith.constant 0 : index
    %get3A_44 = vector.load %arg8[%get3A_42, %get3A_43] : memref<1x128xf32, #tpu.memory_space<vmem>>, vector<1x128xf32>
    %add3A_45 = vector.broadcast %get3A_44 : vector<1x128xf32> to vector<1000x128xf32>
    %add3A_46 = arith.addf %mul3A_41, %add3A_45 : vector<1000x128xf32>
    %swap3A = arith.constant 0 : index
    %swap3A_47 = arith.constant 0 : index
    %swap3A_48 = vector.load %arg9[%swap3A, %swap3A_47] : memref<1000x128xf32, #tpu.memory_space<vmem>>, vector<1000x128xf32>
    tpu.vector_store %arg9[%swap3A, %swap3A_47], %add3A_46 {strides = array<i32>} : memref<1000x128xf32, #tpu.memory_space<vmem>>, vector<1000x128xf32>,
    return
  }
  func.func @transform_0(%arg0: i32) -> (i32, i32) {
    %c0_i32 = arith.constant 0 : i32
    %c0_i32_0 = arith.constant 0 : i32
    %c0_i32_1 = arith.constant 0 : i32
    return %c0_i32, %c0_i32_0 : i32, i32
  }
  func.func @transform_1(%arg0: i32) -> (i32, i32) {
    %sub3A = arith.constant 1 : i32
    %sub3A_0 = arith.subi %arg0, %sub3A : i32
    %max3A = arith.constant 0 : i32
    %max3A_1 = arith.maxsi %sub3A_0, %max3A : i32
    %c0_i32 = arith.constant 0 : i32
    %c0_i32_2 = arith.constant 0 : i32
    return %max3A_1, %c0_i32 : i32, i32
  }
  func.func @transform_2(%arg0: i32) -> (i32, i32) {
    %c0_i32 = arith.constant 0 : i32
    %c0_i32_0 = arith.constant 0 : i32
    %c0_i32_1 = arith.constant 0 : i32
    return %c0_i32, %c0_i32_0 : i32, i32
  }
  func.func @transform_3(%arg0: i32) -> (i32, i32) {
    %c0_i32 = arith.constant 0 : i32
    %c0_i32_0 = arith.constant 0 : i32
    %c0_i32_1 = arith.constant 0 : i32
    return %c0_i32, %c0_i32_0 : i32, i32
  }
  func.func @transform_4(%arg0: i32) -> (i32, i32) {
    %c0_i32 = arith.constant 0 : i32
    %c0_i32_0 = arith.constant 0 : i32
    %c0_i32_1 = arith.constant 0 : i32
    return %c0_i32, %c0_i32_0 : i32, i32
  }
  func.func @transform_5(%arg0: i32) -> (i32, i32) {
    %c0_i32 = arith.constant 0 : i32
    %c0_i32_0 = arith.constant 0 : i32
    %c0_i32_1 = arith.constant 0 : i32
    return %c0_i32, %c0_i32_0 : i32, i32
  }
  func.func @transform_6(%arg0: i32) -> (i32, i32) {
    %c0_i32 = arith.constant 0 : i32
    %c0_i32_0 = arith.constant 0 : i32
    %c0_i32_1 = arith.constant 0 : i32
    return %c0_i32, %c0_i32_0 : i32, i32
  }
  func.func @transform_7(%arg0: i32) -> (i32, i32) {
    %c0_i32 = arith.constant 0 : i32
    %c0_i32_0 = arith.constant 0 : i32
    %c0_i32_1 = arith.constant 0 : i32
    return %c0_i32, %c0_i32_0 : i32, i32
  }
  func.func @transform_8(%arg0: i32) -> (i32, i32) {
    %c0_i32 = arith.constant 0 : i32
    %c0_i32_0 = arith.constant 0 : i32
    return %arg0, %c0_i32 : i32, i32
  }
}

</mosaic_0001>

<sc_bundles>
// kernel: kernel.4.cloned.1.call-start
scs
__scs_entry_jumppad:
0x0: {  	(pc) =	sbr.rel $0x88, $3  }
0x1: {  	(tag) =	ssettag $0x0;
	lr =	simm.s32 $0x1  }
0x2: {  	[smem:$0x3F97] =	sst lr;
	_ =	strace $0xD0000000  }
0x3: {  	_ = 	snop  }
0x4: {  	_ = 	snop  }
0x5: {  	_ = 	snop  }
0x6: {  	_ = 	snop  }
0x7: {  	_ = 	snop  }
__scs_overlays_trampoline_lowered:
0x8: {  	[smem:$0x3FA6] =	sst s0  }
0x9: {  	[smem:$0x3FA7] =	sst s1  }
0xa: {  	[smem:$0x3FA8] =	sst s2  }
0xb: {  	[smem:$0x3FA9] =	sst s3  }
0xc: {  	[smem:$0x3FAA] =	sst s4  }
0xd: {  	[smem:$0x3FAB] =	sst s5  }
0xe: {  	[smem:$0x3FAC] =	sst s6  }
0xf: {  	[smem:$0x3FAD] =	sst s7  }
0x10: {  	[smem:$0x3FAE] =	sst s8  }
0x11: {  	[smem:$0x3FAF] =	sst s9;
	s0 =	simm.s32 @!p0 $0x0  }
0x12: {  	s1 =	sld [smem:$0x3F95];
	s0 =	simm.s32 @p0 $0x1  }
0x13: {  	[smem:$0x3FB0] =	sst s0;
	s0 =	simm.s32 @!p1 $0x0  }
0x14: {  	s2 =	sld [smem:$0x3F94];
	s0 =	simm.s32 @p1 $0x1  }
0x15: {  	[smem:$0x3FB1] =	sst s0;
	s0 =	simm.s32 @!p2 $0x0  }
0x16: {  	s3 =	sld [smem:$0x3FDB];
	s0 =	simm.s32 @p2 $0x1  }
0x17: {  	s4 =	simm.s32 $0x1BF5;
	[smem:$0x3FB3] =	sst s0  }
0x18: {  	s0 =	sld [smem:$0x3F96];
	_ =	swait.ge [sflag:s4], $0x0  }
0x19: {  	s7 =	sld [smem:$0x3F97]  }
0x1a: {  	s8 =	sadd.s32 $0xFFFFE003, lr  }
0x1b: {  	s9 =	sadd.s32 $0xFFFFFEF7, lr;
	s5 =	simm.s32 $0xFFFFFFFF;
	p2 =	slt.u32 s8, $0xFFFFF086  }
0x1c: {  	p1 =	slt.u32 s9, $0xF7A;
	s5 =	simm.s32 @!p2 $0x0  }
0x1d: {  	s5 =	simm.s32 @p1 $0x1;
	p0 =	seq.s32 s7, s2  }
0x1e: {  	s7 =	smul.u32 @!p0 $0xF7A, s2;
	p2 =	seq.s32 @!p0 s5, $0x0  }
0x1f: {  	s9 =	smul.u32 $0xF7A, s1;
	s8 =	simm.s32 @!p0 $0x1BF5;
	p2 =	por !p2, p0  }
0x20: {  	[sflag:s8] =	ssyncset.s32 @!p0 $0xFFFFF086;
	s6 =	sadd.s32 @!p0 s3, s7;
	s7 =	simm.s32 @!p0 $0x108  }
0x21: {  	s3 =	sadd.s32 s3, s9;
	s6 =	sadd.s32 @!p0 $0x88, s6;
	s7 =	simm.s32 @p2 $0x1082  }
0x22: {  	[simem:s7], [sflag:s8] =	dma.local @!p0 [hbm:s6], $0xF7A  }
0x23: {  	s9 =	sor.u32 $0xD0000000, s2;
	s6 =	simm.s32 $0x108;
	_ =	swait.ge @!p0 [sflag:s8], $0x0  }
0x24: {  	s3 =	sadd.s32 $0x88, s3;
	s6 =	simm.s32 @!p1 $0x1082;
	[sflag:s4] =	ssyncset.s32 $0xFFFFF086  }
0x25: {  	[simem:s6], [sflag:s4] =	dma.local [hbm:s3], $0xF7A  }
0x26: {  	[smem:$0x3F97] =	sst s1;
	(tag) =	ssettag s2;
	_ =	strace s9  }
0x27: {  	s1 =	sld [smem:$0x3FA7]  }
0x28: {  	s2 =	sld [smem:$0x3FA8]  }
0x29: {  	s4 =	sld [smem:$0x3FAA]  }
0x2a: {  	p0 =	seq.s32 s5, $0x0;
	s5 =	sld [smem:$0x3FAB]  }
0x2b: {  	s6 =	sld [smem:$0x3FAC]  }
0x2c: {  	s7 =	sld [smem:$0x3FAD]  }
0x2d: {  	s3 =	simm.s32 $0x108;
	s8 =	sld [smem:$0x3FAE]  }
0x2e: {  	s3 =	simm.s32 @!p0 $0x1082;
	s9 =	sld [smem:$0x3FAF]  }
0x2f: {  	lr =	sadd.s32 s0, s3;
	s0 =	sld [smem:$0x3FA6]  }
0x30: {  	s3 =	sld [smem:$0x3FA9]  }
0x31: {  	[smem:$0x3FB2] =	sst s10  }
0x32: {  	s10 =	sld [smem:$0x3FB0];
	_ =	sdelay $0x3  }
0x33: {  	p0 =	seq.s32 s10, $0x1;
	s10 =	sld [smem:$0x3FB2];
	_ =	sdelay $0x3  }
0x34: {  	[smem:$0x3FB2] =	sst s10  }
0x35: {  	s10 =	sld [smem:$0x3FB1];
	_ =	sdelay $0x3  }
0x36: {  	p1 =	seq.s32 s10, $0x1;
	s10 =	sld [smem:$0x3FB2];
	_ =	sdelay $0x3  }
0x37: {  	[smem:$0x3FB2] =	sst s10  }
0x38: {  	s10 =	sld [smem:$0x3FB3]  }
0x39: {  	_ = 	snop;
	(pc) =	sbr.ind lr, $3  }
0x3a: {  	_ = 	snop  }
0x3b: {  	_ = 	snop  }
0x3c: {  	p2 =	seq.s32 s10, $0x1;
	s10 =	sld [smem:$0x3FB2]  }
0x3d: {  	_ =	shalt  }
0x3e: {  	_ =	shalt  }
0x3f: {  	_ =	shalt  }
0x40: {  	_ =	shalt  }
0x41: {  	_ =	shalt  }
0x42: {  	_ =	shalt  }
0x43: {  	_ =	shalt  }
0x44: {  	_ =	shalt  }
0x45: {  	_ =	shalt  }
0x46: {  	_ =	shalt  }
0x47: {  	_ =	shalt  }
0x48: {  	_ =	shalt  }
0x49: {  	_ =	shalt  }
0x4a: {  	_ =	shalt  }
0x4b: {  	_ =	shalt  }
0x4c: {  	_ =	shalt  }
0x4d: {  	_ =	shalt  }
0x4e: {  	_ =	shalt  }
0x4f: {  	_ =	shalt  }
0x50: {  	_ =	shalt  }
0x51: {  	_ =	shalt  }
0x52: {  	_ =	shalt  }
0x53: {  	_ =	shalt  }
0x54: {  	_ =	shalt  }
0x55: {  	_ =	shalt  }
0x56: {  	_ =	shalt  }
0x57: {  	_ =	shalt  }
0x58: {  	_ =	shalt  }
0x59: {  	_ =	shalt  }
0x5a: {  	_ =	shalt  }
0x5b: {  	_ =	shalt  }
0x5c: {  	_ =	shalt  }
0x5d: {  	_ =	shalt  }
0x5e: {  	_ =	shalt  }
0x5f: {  	_ =	shalt  }
0x60: {  	_ =	shalt  }
0x61: {  	_ =	shalt  }
0x62: {  	_ =	shalt  }
0x63: {  	_ =	shalt  }
0x64: {  	_ =	shalt  }
0x65: {  	_ =	shalt  }
0x66: {  	_ =	shalt  }
0x67: {  	_ =	shalt  }
0x68: {  	_ =	shalt  }
0x69: {  	_ =	shalt  }
0x6a: {  	_ =	shalt  }
0x6b: {  	_ =	shalt  }
0x6c: {  	_ =	shalt  }
0x6d: {  	_ =	shalt  }
0x6e: {  	_ =	shalt  }
0x6f: {  	_ =	shalt  }
0x70: {  	_ =	shalt  }
0x71: {  	_ =	shalt  }
0x72: {  	_ =	shalt  }
0x73: {  	_ =	shalt  }
0x74: {  	_ =	shalt  }
0x75: {  	_ =	shalt  }
0x76: {  	_ =	shalt  }
0x77: {  	_ =	shalt  }
0x78: {  	_ =	shalt  }
0x79: {  	_ =	shalt  }
0x7a: {  	_ =	shalt  }
0x7b: {  	_ =	shalt  }
0x7c: {  	_ =	shalt  }
0x7d: {  	_ =	shalt  }
0x7e: {  	_ =	shalt  }
0x7f: {  	_ =	shalt  }
0x80: {  	_ =	shalt  }
0x81: {  	_ =	shalt  }
0x82: {  	_ =	shalt  }
0x83: {  	_ =	shalt  }
0x84: {  	_ =	shalt  }
0x85: {  	_ =	shalt  }
0x86: {  	_ =	shalt  }
0x87: {  	_ =	shalt  }
.Lfunc_end0:
.L_simem_size_0:
called_computation_lowered:
.L_overlay_start_0:
0x88: {  	s2 =	sld [smem:$0x3FD9]  }
0x89: {  	s3 =	sld [smem:$0x3FFE];
	_ =	sdelay $0x1  }
0x8a: {  	s1 =	srdreg.scid  }
0x8b: {  	s0 =	sand.u32 $0x1, s1  }
0x8c: {  	s17 =	sshll.u32 s0, $0xA;
	s2 =	sadd.s32 s3, s2  }
0x8d: {  	s2 =	sadd.s32 s2, s17  }
0x8e: {  	[smem:$0x3FBE] =	sst s2  }
0x8f: {  	_ = 	snop  }
0x90: {  	s2 =	sld [smem:$0x3FD0];
	(tm) =	ssettm $0x1  }
0x91: {  	s18 =	sld [smem:$0x3FFB];
	_ =	sdelay $0x3  }
0x92: {  	_ =	strace s18  }
0x93: {  	s3 =	sld [smem:$0x3FFC];
	_ =	sdelay $0x3  }
0x94: {  	_ =	strace s3  }
0x95: {  	s3 =	sld [smem:$0x3FFD];
	_ =	sdelay $0x3  }
0x96: {  	_ =	strace s3  }
0x97: {  	_ =	strace $0x8FFFFFFF  }
0x98: {  	s19 =	sld [smem:$0x3FDB];
	_ =	sdelay $0x1  }
0x99: {  	s4 =	simm.s32 $_scs_section_size  }
0x9a: {  	s5 =	simm.s32 $_size__tile_overlayer_lowered;
	s6 =	simm.s32 $_tile_overlayer_lowered  }
0x9b: {  	s22 =	simm.s32 $0x1BFF;
	s21 =	sshll.u32 s6, $0x1;
	s3 =	sadd.s32 s4, s19  }
0x9c: {  	s7 =	simm.s32 $0x0;
	s20 =	sshll.u32 s5, $0x1;
	s5 =	sadd.s32 s21, s3  }
0x9d: {  	[timem:s7], [sflag:s22] =	dma.local [hbm:s5], s20  }
0x9e: {  	_ =	swait.ge [sflag:s22], s20  }
0x9f: {  	s4 =	ssub.s32 $0x0, s20;
	[sflag:s22] =	ssyncset.done $0x0  }
0xa0: {  	[sflag:s22] =	ssyncadd.s32 s4;
	_ =	sdelay $0x1  }
0xa1: {  	s23 =	simm.s32 $0x1B8B  }
0xa2: {  	_ =	swait.ge [sflag:s23], $0x1  }
0xa3: {  	[sflag:s23] =	ssyncset.done $0x0  }
0xa4: {  	s25 =	simm.s32 $0x1B8E;
	s24 =	sld [smem:$0x3FFE];
	[sflag:s23] =	ssyncadd.s32 $0xFFFFFFFF  }
0xa5: {  	s26 =	simm.s32 $execute0_lowered;
	[smem:$0x3FD2] =	sst s25  }
0xa6: {  	s5 =	sshll.u32 s26, $0x1;
	_ =	strace $0x80000046;
	[dreg:$0x1] =	wrdreg $0xFFFFFFFF  }
0xa7: {  	s28 =	simm.s32 $_size_execute0_lowered;
	s3 =	sadd.s32 s3, s5;
	[dreg:$0x0] =	wrdreg $0x0  }
0xa8: {  	s5 =	sshll.u32 s28, $0x1;
	[dreg:$0x2] =	wrdreg s3  }
0xa9: {  	[dreg:$0x3] =	wrdreg s5  }
0xaa: {  	[dreg:$0x4] =	wrdreg $0xC0  }
0xab: {  	_ =	task [dreg:s7], $0x5FFFF  }
0xac: {  	[dreg:$0x1] =	wrdreg $0xFFFFFFFF  }
0xad: {  	[dreg:$0x0] =	wrdreg $0x60  }
0xae: {  	[dreg:$0x2] =	wrdreg s2  }
0xaf: {  	[dreg:$0x3] =	wrdreg s24  }
0xb0: {  	[dreg:$0x4] =	wrdreg $0x9  }
0xb1: {  	_ =	task.clear_ibuf [dreg:s7], $0x5FFFF;
	_ =	strace $0x90000046  }
0xb2: {  	s29 =	simm.s32 $0x9;
	_ =	strace $0x80000048  }
0xb3: {  	_ =	swait.ge [sflag:s29], $0x1  }
0xb4: {  	[sflag:s29] =	ssyncadd.s32 $0xFFFFFFFF  }
0xb5: {  	_ =	strace $0x90000048  }
0xb6: {  	_ =	sfence  }
0xb7: {  	s30 =	sld [smem:$0x0];
	_ =	sdelay $0x2  }
0xb8: {  	s31 =	sshll.u32 s1, $0xD;
	s1 =	sshrl.u32 s1, $0x2  }
0xb9: {  	s3 =	sand.u32 $0x4000, s31;
	s1 =	sadd.s32 s1, s30  }
0xba: {  	s0 =	sor.u32 s3, s0;
	s1 =	sshll.u32 s1, $0x11  }
0xbb: {  	s0 =	sor.u32 s1, s0  }
0xbc: {  	s0 =	sadd.s32 $0x8F2B, s0  }
0xbd: {  	[sflag:s0] =	ssyncadd.remote.s32 $0x1  }
0xbe: {  	_ =	sfence.sel $0xFFFF  }
0xbf: {  	[dreg:$0x0] =	wrdreg $0xFFFFFFFF;
	(pc) =	sbr.abs _section_cstart, $3  }
0xc0: {  	[dreg:$0x1] =	wrdreg $0xFFFFFFFF  }
0xc1: {  	_ =	task.clear_ibuf [dreg:s7], $0x2FFFF;
	_ =	strace $0x9FFFFFFF  }
0xc2: {  	(tm) =	ssettm $0x7FFFFFFF  }
0xc3: {  	_ =	shalt  }
tec
execute0_lowered:
.L_overlay_start_1:
0x0: {  	(tag) =	ssettag $0x1  }
0x1: {  	s1 =	rddreg [dreg:$0x0]  }
0x2: {  	s0 =	rddreg [dreg:$0x1];
	s3 =	simm.s32 $0x0;
	s2 =	srdreg.scid  }
0x3: {  	s11 =	stileid.u32;
	[smem:$0x7FF] =	sst s3;
	s2 =	sand.u32 $0x1, s2  }
0x4: {  	s5 =	smul.u32 $0x1C0000, s11;
	s7 =	sadd.s32 $0x1200, s0;
	s0 =	sadd.s32 $0x7A00, s0  }
0x5: {  	s29 =	smul.u32 $0x38000, s11;
	s9 =	sshll.u32 s11, $0x1;
	s20 =	sshll.u32 s11, $0x8  }
0x6: {  	s11 =	simm.s32 $0xD280;
	_ =	strace $0x80000047;
	s8 =	smul.u32 $0xE0000, s2  }
0x7: {  	s4 =	ssub.s32 $0x2, s2;
	s10 =	smul.u32 $0x1C000, s2;
	s30 =	sor.u32 s2, s9  }
0x8: {  	s2 =	sshll.u32 s2, $0x7;
	[dreg:$0xf] =	wrdreg s11;
	s6 =	sshrl.u32 s4, $0x1  }
0x9: {  	s2 =	sor.u32 s2, s20;
	s20 =	simm.s32 $0x6A00;
	s6 =	ssub.s32 s4, s6  }
0xa: {  	s5 =	sadd.s32 s8, s5;
	s4 =	sadd.s32 s29, s0;
	s8 =	smul.u32 $0x340, s30  }
0xb: {  	s2 =	smul.u32 $0xD, s2;
	[dreg:$0x18] =	wrdreg s20;
	s20 =	simm.s32 $0x2  }
0xc: {  	s31 =	sor.u32 $0xC400, s5;
	s4 =	sadd.s32 s10, s4;
	s10 =	sor.u32 $0xA800, s5  }
0xd: {  	s14 =	sor.u32 $0x7000, s5;
	s17 =	sor.u32 $0x5400, s5;
	s23 =	sor.u32 $0x16C00, s5  }
0xe: {  	s28 =	sor.u32 $0x15000, s5;
	s6 =	smax.u32 s6, $0x1;
	[dreg:$0x3] =	wrdreg s4  }
0xf: {  	s9 =	sshrl.u32 s31, $0x3;
	s18 =	sadd.s32 s7, s8;
	[smem:$0x7FA] =	sst s6  }
0x10: {  	s16 =	sshrl.u32 s14, $0x3;
	s14 =	simm.s32 $0x15400;
	[smem:$0x7F9] =	sst s18  }
0x11: {  	s19 =	sshrl.u32 s17, $0x3;
	s17 =	simm.s32 $0x1C00;
	[dreg:$0x12] =	wrdreg s14  }
0x12: {  	s25 =	sshrl.u32 s23, $0x3;
	s23 =	simm.s32 $0xB800;
	[dreg:$0x15] =	wrdreg s17  }
0x13: {  	s29 =	sshrl.u32 s28, $0x3;
	s28 =	simm.s32 $0x13C00;
	[dreg:$0x1b] =	wrdreg s23  }
0x14: {  	s12 =	sshrl.u32 s10, $0x3;
	s9 =	sadd.s32 s9, s0;
	[dreg:$0x1f] =	wrdreg s28  }
0x15: {  	s13 =	sor.u32 $0x8C00, s5;
	s4 =	sadd.s32 s12, s0;
	[dreg:$0x4] =	wrdreg s9  }
0x16: {  	s21 =	sor.u32 $0x1A400, s5;
	s8 =	sadd.s32 s19, s0;
	[dreg:$0x5] =	wrdreg s4  }
0x17: {  	s22 =	sor.u32 $0x18800, s5;
	s26 =	sadd.s32 s25, s0;
	[dreg:$0x8] =	wrdreg s8  }
0x18: {  	s30 =	sor.u32 $0x13400, s5;
	s12 =	simm.s32 $0x11400;
	[dreg:$0xb] =	wrdreg s26  }
0x19: {  	s5 =	sor.u32 $0x11800, s5;
	s18 =	simm.s32 $0x3600;
	[dreg:$0x10] =	wrdreg s12  }
0x1a: {  	s5 =	sshrl.u32 s5, $0x3;
	s19 =	simm.s32 $0x5000;
	[dreg:$0x16] =	wrdreg s18  }
0x1b: {  	s10 =	sadd.s32 $0xD0, s2;
	s25 =	simm.s32 $0x10800;
	[dreg:$0x17] =	wrdreg s19  }
0x1c: {  	s9 =	sshrl.u32 s13, $0x3;
	s13 =	simm.s32 $0xD300;
	[dreg:$0x1d] =	wrdreg s25  }
0x1d: {  	s8 =	sshrl.u32 s21, $0x3;
	s21 =	simm.s32 $0x8400;
	[dreg:$0x11] =	wrdreg s13  }
0x1e: {  	s2 =	sor.u32 $0x68, s2;
	s26 =	simm.s32 $0x12200;
	[dreg:$0x19] =	wrdreg s21  }
0x1f: {  	s6 =	sshrl.u32 s10, $0x1;
	s15 =	sadd.s32 s9, s0;
	[dreg:$0x1e] =	wrdreg s26  }
0x20: {  	s2 =	sshrl.u32 s2, $0x1;
	s9 =	sadd.s32 s16, s0;
	[dreg:$0x6] =	wrdreg s15  }
0x21: {  	s10 =	simm.s32 $0x200;
	s8 =	sadd.s32 s8, s0;
	[dreg:$0x7] =	wrdreg s9  }
0x22: {  	s14 =	simm.s32 $0x20;
	s16 =	simm.s32 $0x19400;
	[dreg:$0x9] =	wrdreg s8  }
0x23: {  	s17 =	simm.s32 $0x1;
	s8 =	sadd.s32 s29, s0;
	[dreg:$0x14] =	wrdreg s16  }
0x24: {  	s23 =	simm.s32 $0x0;
	s15 =	simm.s32 $0xD380;
	[dreg:$0xc] =	wrdreg s8  }
0x25: {  	s9 =	sshrl.u32 s22, $0x3;
	s22 =	simm.s32 $0x9E00;
	[dreg:$0x13] =	wrdreg s15  }
0x26: {  	s6 =	sadd.s32 s6, s7;
	s29 =	simm.s32 $0x15600;
	[dreg:$0x1a] =	wrdreg s22  }
0x27: {  	s7 =	sadd.s32 s2, s7;
	s24 =	sadd.s32 s9, s0;
	[smem:$0x7FB] =	sst s29  }
0x28: {  	s9 =	sshrl.u32 s30, $0x3;
	s30 =	simm.s32 $0x17000;
	[dreg:$0xa] =	wrdreg s24  }
0x29: {  	s18 =	simm.s32 $0xD200;
	s31 =	sadd.s32 s9, s0;
	[smem:$0x7FC] =	sst s30  }
0x2a: {  	s19 =	simm.s32 $0xD400;
	s0 =	sadd.s32 s5, s0;
	[dreg:$0xd] =	wrdreg s31  }
0x2b: {  	s21 =	simm.s32 $0x3;
	s24 =	simm.s32 $0xEE00;
	[dreg:$0xe] =	wrdreg s0  }
0x2c: {  	s8 =	simm.s32 $0x5;
	[dreg:$0x1c] =	wrdreg s24;
	s31 =	simm.s32 $0x18A00  }
0x2d: {  	s22 =	simm.s32 $0x4;
	s9 =	simm.s32 $0x80;
	[smem:$0x7FD] =	sst s31  }
.LBB2_1:
0x2e: {  	s0 =	sld [smem:$0x7F9];
	_ =	sdelay $0x2  }
0x2f: {  	[tilespmem:s3], [sflag:$0x5] =	stream.linear.gather [hbm4b:s0+s3], $0x1A0, $0x38;
	[tilespmem:$0x1A400] =	vst v63  }
0x30: {  	_ =	swait.ge [sflag:s8], $0x1A0  }
0x31: {  	[sflag:s8] =	ssyncset.done $0x0  }
0x32: {  	[sflag:s8] =	ssyncadd.s32 $0xFFFFFE60  }
0x33: {  	[tilespmem:s10], [sflag:$0x1] =	stream.indirect.gather [hbm4b:s1+s9], $0x80, s3, s9, $0xb8;
	[tilespmem:$0x1A400] =	vst v63  }
0x34: {  	s5 =	simm.s32 $0x4200  }
0x35: {  	[tilespmem:s5], [sflag:$0x1] =	stream.indirect.gather [hbm4b:s1+s9], $0x80, s9, s9, $0xb8;
	[tilespmem:$0x1A400] =	vst v63  }
0x36: {  	s11 =	simm.s32 $0x100;
	s2 =	simm.s32 $0x8200  }
0x37: {  	[tilespmem:s2], [sflag:$0x1] =	stream.indirect.gather [hbm4b:s1+s9], $0x80, s11, s9, $0xb8;
	[tilespmem:$0x1A400] =	vst v63  }
0x38: {  	s12 =	simm.s32 $0x180;
	s13 =	simm.s32 $0xC200  }
0x39: {  	[tilespmem:s13], [sflag:$0x1] =	stream.indirect.gather [hbm4b:s1+s14], $0x80, s12, s14, $0xb8;
	[tilespmem:$0x1A400] =	vst v63  }
0x3a: {  	_ =	swait.ge [sflag:s17], $0x4000  }
0x3b: {  	[sflag:s17] =	ssyncset.done $0x0  }
0x3c: {  	[sflag:s17] =	ssyncadd.s32 $0xFFFFC000  }
0x3d: {  	_ =	swait.ge [sflag:s17], $0x4000  }
0x3e: {  	[sflag:s17] =	ssyncset.done $0x0  }
0x3f: {  	[sflag:s17] =	ssyncadd.s32 $0xFFFFC000  }
0x40: {  	_ =	swait.ge [sflag:s17], $0x4000  }
0x41: {  	[sflag:s17] =	ssyncset.done $0x0  }
0x42: {  	[sflag:s17] =	ssyncadd.s32 $0xFFFFC000  }
0x43: {  	_ =	swait.ge [sflag:s17], $0x1000  }
0x44: {  	p0 =	por $0x1, $0x1;
	[sflag:s17] =	ssyncset.done $0x0  }
0x45: {  	s0 =	simm.s32 @!p0 $0x4;
	[sflag:s17] =	ssyncadd.s32 $0xFFFFF000  }
0x46: {  	_ =	swait.ge @!p0 [sflag:s0], $0x1A00  }
0x47: {  	[sflag:s0] =	ssyncset.done @!p0 $0x0  }
0x48: {  	[sflag:s0] =	ssyncadd.s32 @!p0 $0xFFFFE600  }
0x49: {  	_ =	swait.ge @!p0 [sflag:s0], $0x1A00  }
0x4a: {  	[sflag:s0] =	ssyncset.done @!p0 $0x0  }
0x4b: {  	[sflag:s0] =	ssyncadd.s32 @!p0 $0xFFFFE600  }
0x4c: {  	_ =	swait.ge @!p0 [sflag:s0], $0x1A00  }
0x4d: {  	[sflag:s0] =	ssyncset.done @!p0 $0x0  }
0x4e: {  	[sflag:s0] =	ssyncadd.s32 @!p0 $0xFFFFE600  }
0x4f: {  	_ =	swait.ge @!p0 [sflag:s0], $0x1A00  }
0x50: {  	[sflag:s0] =	ssyncset.done @!p0 $0x0  }
0x51: {  	[sflag:s0] =	ssyncadd.s32 @!p0 $0xFFFFE600  }
0x52: {  	_ =	swait.ge @!p0 [sflag:s0], $0x1A00  }
0x53: {  	[sflag:s0] =	ssyncset.done @!p0 $0x0  }
0x54: {  	[sflag:s0] =	ssyncadd.s32 @!p0 $0xFFFFE600  }
0x55: {  	_ =	swait.ge @!p0 [sflag:s0], $0x1A00  }
0x56: {  	[sflag:s0] =	ssyncset.done @!p0 $0x0  }
0x57: {  	[sflag:s0] =	ssyncadd.s32 @!p0 $0xFFFFE600  }
0x58: {  	_ =	swait.ge @!p0 [sflag:s0], $0x1A00  }
0x59: {  	[sflag:s0] =	ssyncset.done @!p0 $0x0  }
0x5a: {  	[sflag:s0] =	ssyncadd.s32 @!p0 $0xFFFFE600  }
0x5b: {  	_ =	swait.ge @!p0 [sflag:s0], $0x1A00  }
0x5c: {  	[sflag:s0] =	ssyncset.done @!p0 $0x0  }
0x5d: {  	[sflag:s0] =	ssyncadd.s32 @!p0 $0xFFFFE600  }
0x5e: {  	[tilespmem:s18], [sflag:$0x5] =	stream.linear.gather [hbm4b:s7+s3], $0x1A0, $0x38;
	[tilespmem:$0x1A400] =	vst v63  }
0x5f: {  	_ =	swait.ge [sflag:s8], $0x1A0  }
0x60: {  	s0 =	rddreg [dreg:$0x6]  }
0x61: {  	s2 =	rddreg [dreg:$0x7]  }
0x62: {  	s11 =	rddreg [dreg:$0x12]  }
0x63: {  	s12 =	rddreg [dreg:$0x3]  }
0x64: {  	s13 =	rddreg [dreg:$0x13]  }
0x65: {  	s24 =	rddreg [dreg:$0x11]  }
0x66: {  	s25 =	rddreg [dreg:$0xf];
	[sflag:s8] =	ssyncset.done $0x0  }
0x67: {  	s26 =	rddreg [dreg:$0x10];
	[sflag:s8] =	ssyncadd.s32 $0xFFFFFE60  }
0x68: {  	[tilespmem:s19], [sflag:$0x2] =	stream.indirect.gather [hbm4b:s1+s9], $0x80, s18, s9, $0xb8;
	[tilespmem:$0x1A400] =	vst v63  }
0x69: {  	s28 =	rddreg [dreg:$0x14]  }
0x6a: {  	[tilespmem:s26], [sflag:$0x2] =	stream.indirect.gather [hbm4b:s1+s9], $0x80, s25, s9, $0xb8;
	[tilespmem:$0x1A400] =	vst v63  }
0x6b: {  	s29 =	rddreg [dreg:$0x8]  }
0x6c: {  	[tilespmem:s11], [sflag:$0x2] =	stream.indirect.gather [hbm4b:s1+s9], $0x80, s24, s9, $0xb8;
	[tilespmem:$0x1A400] =	vst v63  }
0x6d: {  	s15 =	rddreg [dreg:$0x15]  }
0x6e: {  	[tilespmem:s28], [sflag:$0x2] =	stream.indirect.gather [hbm4b:s1+s14], $0x80, s13, s14, $0xb8;
	[tilespmem:$0x1A400] =	vst v63  }
0x6f: {  	s16 =	rddreg [dreg:$0x16];
	s24 =	sadd.s32 $0x0, s12  }
0x70: {  	[hbm4b:s24+s3] =	stream.linear.scatter [tilespmem:s10], [sflag:$0x3], $0x1A00, $0x38;
	[tilespmem:$0x1A400] =	vst v63  }
0x71: {  	s26 =	rddreg [dreg:$0x18];
	s4 =	sadd.s32 $0x380, s24  }
0x72: {  	[hbm4b:s4+s3] =	stream.linear.scatter [tilespmem:s15], [sflag:$0x3], $0x1A00, $0x38;
	[tilespmem:$0x1A400] =	vst v63  }
0x73: {  	s25 =	rddreg [dreg:$0x19];
	s5 =	sadd.s32 $0x700, s24  }
0x74: {  	[hbm4b:s5+s3] =	stream.linear.scatter [tilespmem:s16], [sflag:$0x3], $0x1A00, $0x38;
	[tilespmem:$0x1A400] =	vst v63  }
0x75: {  	s12 =	rddreg [dreg:$0x17];
	s15 =	sadd.s32 $0x0, s29  }
0x76: {  	[hbm4b:s15+s3] =	stream.linear.scatter [tilespmem:s12], [sflag:$0x3], $0x1A00, $0x38;
	[tilespmem:$0x1A400] =	vst v63  }
0x77: {  	s2 =	sadd.s32 $0x0, s2;
	s4 =	rddreg [dreg:$0x1a]  }
0x78: {  	[hbm4b:s2+s3] =	stream.linear.scatter [tilespmem:s26], [sflag:$0x3], $0x1A00, $0x38;
	[tilespmem:$0x1A400] =	vst v63  }
0x79: {  	s0 =	sadd.s32 $0x0, s0;
	s16 =	rddreg [dreg:$0x5]  }
0x7a: {  	[hbm4b:s0+s3] =	stream.linear.scatter [tilespmem:s25], [sflag:$0x3], $0x1A00, $0x38;
	[tilespmem:$0x1A400] =	vst v63  }
0x7b: {  	s5 =	rddreg [dreg:$0x4];
	s12 =	sadd.s32 $0x0, s16  }
0x7c: {  	[hbm4b:s12+s3] =	stream.linear.scatter [tilespmem:s4], [sflag:$0x3], $0x1A00, $0x38;
	[tilespmem:$0x1A400] =	vst v63  }
0x7d: {  	s13 =	rddreg [dreg:$0x1b];
	s15 =	sadd.s32 $0x0, s5  }
0x7e: {  	[hbm4b:s15+s3] =	stream.linear.scatter [tilespmem:s13], [sflag:$0x3], $0x1A00, $0x38;
	[tilespmem:$0x1A400] =	vst v63  }
0x7f: {  	_ =	swait.ge [sflag:s20], $0x4000  }
0x80: {  	[sflag:s20] =	ssyncset.done $0x0  }
0x81: {  	[sflag:s20] =	ssyncadd.s32 $0xFFFFC000  }
0x82: {  	_ =	swait.ge [sflag:s20], $0x4000  }
0x83: {  	[sflag:s20] =	ssyncset.done $0x0  }
0x84: {  	[sflag:s20] =	ssyncadd.s32 $0xFFFFC000  }
0x85: {  	_ =	swait.ge [sflag:s20], $0x4000  }
0x86: {  	[sflag:s20] =	ssyncset.done $0x0  }
0x87: {  	[sflag:s20] =	ssyncadd.s32 $0xFFFFC000  }
0x88: {  	_ =	swait.ge [sflag:s20], $0x1000  }
0x89: {  	[sflag:s20] =	ssyncset.done $0x0  }
0x8a: {  	[sflag:s20] =	ssyncadd.s32 $0xFFFFF000  }
0x8b: {  	_ =	swait.ge [sflag:s21], $0x1A00  }
0x8c: {  	[sflag:s21] =	ssyncset.done $0x0  }
0x8d: {  	[sflag:s21] =	ssyncadd.s32 $0xFFFFE600  }
0x8e: {  	_ =	swait.ge [sflag:s21], $0x1A00  }
0x8f: {  	[sflag:s21] =	ssyncset.done $0x0  }
0x90: {  	[sflag:s21] =	ssyncadd.s32 $0xFFFFE600  }
0x91: {  	_ =	swait.ge [sflag:s21], $0x1A00  }
0x92: {  	[sflag:s21] =	ssyncset.done $0x0  }
0x93: {  	[sflag:s21] =	ssyncadd.s32 $0xFFFFE600  }
0x94: {  	_ =	swait.ge [sflag:s21], $0x1A00  }
0x95: {  	[sflag:s21] =	ssyncset.done $0x0  }
0x96: {  	[sflag:s21] =	ssyncadd.s32 $0xFFFFE600  }
0x97: {  	_ =	swait.ge [sflag:s21], $0x1A00  }
0x98: {  	[sflag:s21] =	ssyncset.done $0x0  }
0x99: {  	[sflag:s21] =	ssyncadd.s32 $0xFFFFE600  }
0x9a: {  	_ =	swait.ge [sflag:s21], $0x1A00  }
0x9b: {  	[sflag:s21] =	ssyncset.done $0x0  }
0x9c: {  	[sflag:s21] =	ssyncadd.s32 $0xFFFFE600  }
0x9d: {  	_ =	swait.ge [sflag:s21], $0x1A00  }
0x9e: {  	[sflag:s21] =	ssyncset.done $0x0  }
0x9f: {  	[sflag:s21] =	ssyncadd.s32 $0xFFFFE600  }
0xa0: {  	_ =	swait.ge [sflag:s21], $0x1A00  }
0xa1: {  	p0 =	por $0x0, $0x0;
	[sflag:s21] =	ssyncset.done $0x0  }
0xa2: {  	s2 =	simm.s32 @!p0 $0x5;
	s0 =	simm.s32 @!p0 $0x0;
	[sflag:s21] =	ssyncadd.s32 $0xFFFFE600  }
0xa3: {  	[tilespmem:s0], [sflag:$0x5] =	stream.linear.gather @!p0 [hbm4b:s6+s0], $0x1A0, $0x38;
	[tilespmem:$0x1A400] =	vst v63  }
0xa4: {  	_ =	swait.ge @!p0 [sflag:s2], $0x1A0  }
0xa5: {  	s31 =	rddreg [dreg:$0xd]  }
0xa6: {  	s16 =	rddreg [dreg:$0xe]  }
0xa7: {  	s11 =	simm.s32 @!p0 $0x200;
	[sflag:s2] =	ssyncset.done @!p0 $0x0;
	s30 =	rddreg [dreg:$0x9]  }
0xa8: {  	s26 =	rddreg [dreg:$0x1c];
	[sflag:s2] =	ssyncadd.s32 @!p0 $0xFFFFFE60;
	s2 =	simm.s32 @!p0 $0x80  }
0xa9: {  	[tilespmem:s11], [sflag:$0x1] =	stream.indirect.gather @!p0 [hbm4b:s1+s2], $0x80, s0, s2, $0xb8;
	[tilespmem:$0x1A400] =	vst v63  }
0xaa: {  	s25 =	simm.s32 @!p0 $0x8200;
	s29 =	rddreg [dreg:$0x1e];
	s0 =	simm.s32 @!p0 $0x4200  }
0xab: {  	[tilespmem:s0], [sflag:$0x1] =	stream.indirect.gather @!p0 [hbm4b:s1+s2], $0x80, s2, s2, $0xb8;
	[tilespmem:$0x1A400] =	vst v63  }
0xac: {  	s12 =	simm.s32 @!p0 $0x100;
	s11 =	simm.s32 @!p0 $0xC200;
	s0 =	rddreg [dreg:$0xc]  }
0xad: {  	[tilespmem:s25], [sflag:$0x1] =	stream.indirect.gather @!p0 [hbm4b:s1+s2], $0x80, s12, s2, $0xb8;
	[tilespmem:$0x1A400] =	vst v63  }
0xae: {  	s12 =	simm.s32 @!p0 $0x20;
	s25 =	simm.s32 @!p0 $0x180;
	s2 =	rddreg [dreg:$0xb]  }
0xaf: {  	[tilespmem:s11], [sflag:$0x1] =	stream.indirect.gather @!p0 [hbm4b:s1+s12], $0x80, s25, s12, $0xb8;
	[tilespmem:$0x1A400] =	vst v63  }
0xb0: {  	s28 =	sadd.s32 $0x68, s6;
	s25 =	sadd.s32 $0x1C00, s24;
	s11 =	rddreg [dreg:$0xa]  }
0xb1: {  	[hbm4b:s25+s3] =	stream.linear.scatter [tilespmem:s19], [sflag:$0x4], $0x1A00, $0x38;
	[tilespmem:$0x1A400] =	vst v63  }
0xb2: {  	s13 =	sadd.s32 $0x0, s16;
	s24 =	sadd.s32 $0x1F80, s24;
	s12 =	rddreg [dreg:$0x1d]  }
0xb3: {  	[hbm4b:s24+s3] =	stream.linear.scatter [tilespmem:s26], [sflag:$0x4], $0x1A00, $0x38;
	[tilespmem:$0x1A400] =	vst v63  }
0xb4: {  	s25 =	simm.s32 $0x3800;
	s26 =	sadd.s32 $0x68, s7;
	s24 =	simm.s32 $0x0  }
.LBB2_2:
0xb5: {  	[hbm4b:s13+s3] =	stream.linear.scatter [tilespmem:s12], [sflag:$0x4], $0x1A00, $0x38;
	[tilespmem:$0x1A400] =	vst v63  }
0xb6: {  	s16 =	sadd.s32 s24, s31;
	s31 =	rddreg [dreg:$0x1f]  }
0xb7: {  	[hbm4b:s16+s3] =	stream.linear.scatter [tilespmem:s29], [sflag:$0x4], $0x1A00, $0x38;
	[tilespmem:$0x1A400] =	vst v63  }
0xb8: {  	s0 =	sadd.s32 s24, s0;
	s4 =	sld [smem:$0x7FB]  }
0xb9: {  	[hbm4b:s0+s3] =	stream.linear.scatter [tilespmem:s31], [sflag:$0x4], $0x1A00, $0x38;
	[tilespmem:$0x1A400] =	vst v63  }
0xba: {  	s5 =	sadd.s32 s24, s2;
	s15 =	sld [smem:$0x7FC]  }
0xbb: {  	[hbm4b:s5+s3] =	stream.linear.scatter [tilespmem:s4], [sflag:$0x4], $0x1A00, $0x38;
	[tilespmem:$0x1A400] =	vst v63  }
0xbc: {  	s16 =	sadd.s32 s24, s11;
	s5 =	sld [smem:$0x7FD]  }
0xbd: {  	[hbm4b:s16+s3] =	stream.linear.scatter [tilespmem:s15], [sflag:$0x4], $0x1A00, $0x38;
	[tilespmem:$0x1A400] =	vst v63  }
0xbe: {  	s4 =	sadd.s32 s24, s30  }
0xbf: {  	[hbm4b:s4+s3] =	stream.linear.scatter [tilespmem:s5], [sflag:$0x4], $0x1A00, $0x38;
	[tilespmem:$0x1A400] =	vst v63  }
0xc0: {  	_ =	swait.ge [sflag:s17], $0x4000  }
0xc1: {  	[sflag:s17] =	ssyncset.done $0x0  }
0xc2: {  	[sflag:s17] =	ssyncadd.s32 $0xFFFFC000  }
0xc3: {  	_ =	swait.ge [sflag:s17], $0x4000  }
0xc4: {  	[sflag:s17] =	ssyncset.done $0x0  }
0xc5: {  	[sflag:s17] =	ssyncadd.s32 $0xFFFFC000  }
0xc6: {  	_ =	swait.ge [sflag:s17], $0x4000  }
0xc7: {  	[sflag:s17] =	ssyncset.done $0x0  }
0xc8: {  	s12 =	smov.u32 s25;
	[sflag:s17] =	ssyncadd.s32 $0xFFFFC000  }
0xc9: {  	s24 =	smov.u32 s12;
	_ =	swait.ge [sflag:s17], $0x1000  }
0xca: {  	p1 =	seq.s32 s24, $0x0;
	[sflag:s17] =	ssyncset.done $0x0  }
0xcb: {  	s0 =	simm.s32 @!p1 $0x4;
	[sflag:s17] =	ssyncadd.s32 $0xFFFFF000  }
0xcc: {  	_ =	swait.ge @!p1 [sflag:s0], $0x1A00  }
0xcd: {  	[sflag:s0] =	ssyncset.done @!p1 $0x0  }
0xce: {  	[sflag:s0] =	ssyncadd.s32 @!p1 $0xFFFFE600  }
0xcf: {  	_ =	swait.ge @!p1 [sflag:s0], $0x1A00  }
0xd0: {  	[sflag:s0] =	ssyncset.done @!p1 $0x0  }
0xd1: {  	[sflag:s0] =	ssyncadd.s32 @!p1 $0xFFFFE600  }
0xd2: {  	_ =	swait.ge @!p1 [sflag:s0], $0x1A00  }
0xd3: {  	[sflag:s0] =	ssyncset.done @!p1 $0x0  }
0xd4: {  	[sflag:s0] =	ssyncadd.s32 @!p1 $0xFFFFE600  }
0xd5: {  	_ =	swait.ge @!p1 [sflag:s0], $0x1A00  }
0xd6: {  	[sflag:s0] =	ssyncset.done @!p1 $0x0  }
0xd7: {  	[sflag:s0] =	ssyncadd.s32 @!p1 $0xFFFFE600  }
0xd8: {  	_ =	swait.ge @!p1 [sflag:s0], $0x1A00  }
0xd9: {  	[sflag:s0] =	ssyncset.done @!p1 $0x0  }
0xda: {  	[sflag:s0] =	ssyncadd.s32 @!p1 $0xFFFFE600  }
0xdb: {  	_ =	swait.ge @!p1 [sflag:s0], $0x1A00  }
0xdc: {  	[sflag:s0] =	ssyncset.done @!p1 $0x0  }
0xdd: {  	[sflag:s0] =	ssyncadd.s32 @!p1 $0xFFFFE600  }
0xde: {  	_ =	swait.ge @!p1 [sflag:s0], $0x1A00  }
0xdf: {  	[sflag:s0] =	ssyncset.done @!p1 $0x0  }
0xe0: {  	[sflag:s0] =	ssyncadd.s32 @!p1 $0xFFFFE600  }
0xe1: {  	_ =	swait.ge @!p1 [sflag:s0], $0x1A00  }
0xe2: {  	[sflag:s0] =	ssyncset.done @!p1 $0x0  }
0xe3: {  	[sflag:s0] =	ssyncadd.s32 @!p1 $0xFFFFE600  }
0xe4: {  	[tilespmem:s18], [sflag:$0x5] =	stream.linear.gather [hbm4b:s26+s3], $0x1A0, $0x38;
	[tilespmem:$0x1A400] =	vst v63  }
0xe5: {  	_ =	swait.ge [sflag:s8], $0x1A0  }
0xe6: {  	s0 =	rddreg [dreg:$0x6]  }
0xe7: {  	s2 =	rddreg [dreg:$0x7]  }
0xe8: {  	s13 =	rddreg [dreg:$0x12]  }
0xe9: {  	s4 =	rddreg [dreg:$0x3]  }
0xea: {  	s5 =	rddreg [dreg:$0x13]  }
0xeb: {  	s30 =	rddreg [dreg:$0x11]  }
0xec: {  	[sflag:s8] =	ssyncset.done $0x0;
	s29 =	rddreg [dreg:$0xf]  }
0xed: {  	s31 =	rddreg [dreg:$0x10];
	[sflag:s8] =	ssyncadd.s32 $0xFFFFFE60  }
0xee: {  	[tilespmem:s19], [sflag:$0x2] =	stream.indirect.gather [hbm4b:s1+s9], $0x80, s18, s9, $0xb8;
	[tilespmem:$0x1A400] =	vst v63  }
0xef: {  	s15 =	rddreg [dreg:$0x14]  }
0xf0: {  	[tilespmem:s31], [sflag:$0x2] =	stream.indirect.gather [hbm4b:s1+s9], $0x80, s29, s9, $0xb8;
	[tilespmem:$0x1A400] =	vst v63  }
0xf1: {  	s16 =	rddreg [dreg:$0x8]  }
0xf2: {  	[tilespmem:s13], [sflag:$0x2] =	stream.indirect.gather [hbm4b:s1+s9], $0x80, s30, s9, $0xb8;
	[tilespmem:$0x1A400] =	vst v63  }
0xf3: {  	s12 =	rddreg [dreg:$0x15]  }
0xf4: {  	[tilespmem:s15], [sflag:$0x2] =	stream.indirect.gather [hbm4b:s1+s14], $0x80, s5, s14, $0xb8;
	[tilespmem:$0x1A400] =	vst v63  }
0xf5: {  	s29 =	sadd.s32 s24, s4;
	s31 =	rddreg [dreg:$0x18]  }
0xf6: {  	[hbm4b:s29+s3] =	stream.linear.scatter [tilespmem:s10], [sflag:$0x3], $0x1A00, $0x38;
	[tilespmem:$0x1A400] =	vst v63  }
0xf7: {  	s11 =	sadd.s32 $0x380, s29;
	s30 =	rddreg [dreg:$0x16]  }
0xf8: {  	[hbm4b:s11+s3] =	stream.linear.scatter [tilespmem:s12], [sflag:$0x3], $0x1A00, $0x38;
	[tilespmem:$0x1A400] =	vst v63  }
0xf9: {  	s4 =	sadd.s32 $0x700, s29;
	s13 =	rddreg [dreg:$0x5]  }
0xfa: {  	[hbm4b:s4+s3] =	stream.linear.scatter [tilespmem:s30], [sflag:$0x3], $0x1A00, $0x38;
	[tilespmem:$0x1A400] =	vst v63  }
0xfb: {  	s16 =	sadd.s32 s24, s16;
	s5 =	rddreg [dreg:$0x17]  }
0xfc: {  	[hbm4b:s16+s3] =	stream.linear.scatter [tilespmem:s5], [sflag:$0x3], $0x1A00, $0x38;
	[tilespmem:$0x1A400] =	vst v63  }
0xfd: {  	s2 =	sadd.s32 s24, s2;
	s11 =	rddreg [dreg:$0x19]  }
0xfe: {  	[hbm4b:s2+s3] =	stream.linear.scatter [tilespmem:s31], [sflag:$0x3], $0x1A00, $0x38;
	[tilespmem:$0x1A400] =	vst v63  }
0xff: {  	s0 =	sadd.s32 s24, s0;
	s16 =	rddreg [dreg:$0x1a]  }
0x100: {  	[hbm4b:s0+s3] =	stream.linear.scatter [tilespmem:s11], [sflag:$0x3], $0x1A00, $0x38;
	[tilespmem:$0x1A400] =	vst v63  }
0x101: {  	s4 =	sadd.s32 s24, s13;
	s5 =	rddreg [dreg:$0x4]  }
0x102: {  	[hbm4b:s4+s3] =	stream.linear.scatter [tilespmem:s16], [sflag:$0x3], $0x1A00, $0x38;
	[tilespmem:$0x1A400] =	vst v63  }
0x103: {  	s13 =	sadd.s32 s24, s5;
	s11 =	rddreg [dreg:$0x1b]  }
0x104: {  	[hbm4b:s13+s3] =	stream.linear.scatter [tilespmem:s11], [sflag:$0x3], $0x1A00, $0x38;
	[tilespmem:$0x1A400] =	vst v63  }
0x105: {  	_ =	swait.ge [sflag:s20], $0x4000  }
0x106: {  	[sflag:s20] =	ssyncset.done $0x0  }
0x107: {  	[sflag:s20] =	ssyncadd.s32 $0xFFFFC000  }
0x108: {  	_ =	swait.ge [sflag:s20], $0x4000  }
0x109: {  	[sflag:s20] =	ssyncset.done $0x0  }
0x10a: {  	[sflag:s20] =	ssyncadd.s32 $0xFFFFC000  }
0x10b: {  	_ =	swait.ge [sflag:s20], $0x4000  }
0x10c: {  	[sflag:s20] =	ssyncset.done $0x0  }
0x10d: {  	[sflag:s20] =	ssyncadd.s32 $0xFFFFC000  }
0x10e: {  	_ =	swait.ge [sflag:s20], $0x1000  }
0x10f: {  	[sflag:s20] =	ssyncset.done $0x0  }
0x110: {  	[sflag:s20] =	ssyncadd.s32 $0xFFFFF000  }
0x111: {  	_ =	swait.ge [sflag:s21], $0x1A00  }
0x112: {  	[sflag:s21] =	ssyncset.done $0x0  }
0x113: {  	[sflag:s21] =	ssyncadd.s32 $0xFFFFE600  }
0x114: {  	_ =	swait.ge [sflag:s21], $0x1A00  }
0x115: {  	[sflag:s21] =	ssyncset.done $0x0  }
0x116: {  	[sflag:s21] =	ssyncadd.s32 $0xFFFFE600  }
0x117: {  	_ =	swait.ge [sflag:s21], $0x1A00  }
0x118: {  	[sflag:s21] =	ssyncset.done $0x0  }
0x119: {  	[sflag:s21] =	ssyncadd.s32 $0xFFFFE600  }
0x11a: {  	_ =	swait.ge [sflag:s21], $0x1A00  }
0x11b: {  	[sflag:s21] =	ssyncset.done $0x0  }
0x11c: {  	[sflag:s21] =	ssyncadd.s32 $0xFFFFE600  }
0x11d: {  	_ =	swait.ge [sflag:s21], $0x1A00  }
0x11e: {  	[sflag:s21] =	ssyncset.done $0x0  }
0x11f: {  	[sflag:s21] =	ssyncadd.s32 $0xFFFFE600  }
0x120: {  	_ =	swait.ge [sflag:s21], $0x1A00  }
0x121: {  	[sflag:s21] =	ssyncset.done $0x0  }
0x122: {  	[sflag:s21] =	ssyncadd.s32 $0xFFFFE600  }
0x123: {  	_ =	swait.ge [sflag:s21], $0x1A00  }
0x124: {  	[sflag:s21] =	ssyncset.done $0x0  }
0x125: {  	[sflag:s21] =	ssyncadd.s32 $0xFFFFE600  }
0x126: {  	_ =	swait.ge [sflag:s21], $0x1A00  }
0x127: {  	p1 =	seq.s32 s24, $0x18800;
	[sflag:s21] =	ssyncset.done $0x0  }
0x128: {  	s2 =	simm.s32 @!p1 $0x5;
	s0 =	simm.s32 @!p1 $0x0;
	[sflag:s21] =	ssyncadd.s32 $0xFFFFE600  }
0x129: {  	[tilespmem:s0], [sflag:$0x5] =	stream.linear.gather @!p1 [hbm4b:s28+s0], $0x1A0, $0x38;
	[tilespmem:$0x1A400] =	vst v63  }
0x12a: {  	s25 =	sadd.s32 $0x3800, s25;
	_ =	swait.ge @!p1 [sflag:s2], $0x1A0  }
0x12b: {  	p0 =	sne.s32 s25, $0x1C000;
	s31 =	rddreg [dreg:$0xd]  }
0x12c: {  	s12 =	simm.s32 @!p1 $0x80;
	[sflag:s2] =	ssyncset.done @!p1 $0x0;
	s13 =	rddreg [dreg:$0xe]  }
0x12d: {  	s11 =	simm.s32 @!p1 $0x200;
	s30 =	rddreg [dreg:$0x9];
	[sflag:s2] =	ssyncadd.s32 @!p1 $0xFFFFFE60  }
0x12e: {  	[tilespmem:s11], [sflag:$0x1] =	stream.indirect.gather @!p1 [hbm4b:s1+s12], $0x80, s0, s12, $0xb8;
	[tilespmem:$0x1A400] =	vst v63  }
0x12f: {  	s15 =	simm.s32 @!p1 $0xC200;
	s2 =	simm.s32 @!p1 $0x4200;
	s0 =	rddreg [dreg:$0xc]  }
0x130: {  	[tilespmem:s2], [sflag:$0x1] =	stream.indirect.gather @!p1 [hbm4b:s1+s12], $0x80, s12, s12, $0xb8;
	[tilespmem:$0x1A400] =	vst v63  }
0x131: {  	s16 =	simm.s32 @!p1 $0x8200;
	s11 =	simm.s32 @!p1 $0x100;
	s2 =	rddreg [dreg:$0xb]  }
0x132: {  	[tilespmem:s16], [sflag:$0x1] =	stream.indirect.gather @!p1 [hbm4b:s1+s12], $0x80, s11, s12, $0xb8;
	[tilespmem:$0x1A400] =	vst v63  }
0x133: {  	s5 =	simm.s32 @!p1 $0x180;
	s4 =	simm.s32 @!p1 $0x20;
	s11 =	rddreg [dreg:$0xa]  }
0x134: {  	[tilespmem:s15], [sflag:$0x1] =	stream.indirect.gather @!p1 [hbm4b:s1+s4], $0x80, s5, s4, $0xb8;
	[tilespmem:$0x1A400] =	vst v63  }
.Ltmp0:
0x135: {  	s26 =	sadd.s32 $0x68, s26;
	s16 =	rddreg [dreg:$0x1c];
	(pc) =	sbr.rel @p0 .LBB2_2-.Ltmp0, $4  }
0x136: {  	s12 =	sadd.s32 $0x1C00, s29;
	s15 =	sadd.s32 $0x1F80, s29;
	s29 =	rddreg [dreg:$0x1e]  }
0x137: {  	[hbm4b:s12+s3] =	stream.linear.scatter [tilespmem:s19], [sflag:$0x4], $0x1A00, $0x38;
	[tilespmem:$0x1A400] =	vst v63  }
0x138: {  	s28 =	sadd.s32 $0x68, s28;
	s13 =	sadd.s32 s24, s13;
	s12 =	rddreg [dreg:$0x1d]  }
0x139: {  	[hbm4b:s15+s3] =	stream.linear.scatter [tilespmem:s16], [sflag:$0x4], $0x1A00, $0x38;
	[tilespmem:$0x1A400] =	vst v63  }
0x13a: {  	[hbm4b:s13+s3] =	stream.linear.scatter [tilespmem:s12], [sflag:$0x4], $0x1A00, $0x38;
	[tilespmem:$0x1A400] =	vst v63  }
0x13b: {  	s4 =	sadd.s32 s24, s31;
	s5 =	rddreg [dreg:$0x1f]  }
0x13c: {  	[hbm4b:s4+s3] =	stream.linear.scatter [tilespmem:s29], [sflag:$0x4], $0x1A00, $0x38;
	[tilespmem:$0x1A400] =	vst v63  }
0x13d: {  	s0 =	sadd.s32 s24, s0;
	s16 =	sld [smem:$0x7FB]  }
0x13e: {  	[hbm4b:s0+s3] =	stream.linear.scatter [tilespmem:s5], [sflag:$0x4], $0x1A00, $0x38;
	[tilespmem:$0x1A400] =	vst v63  }
0x13f: {  	s25 =	sadd.s32 s24, s2;
	s26 =	sld [smem:$0x7FC]  }
0x140: {  	[hbm4b:s25+s3] =	stream.linear.scatter [tilespmem:s16], [sflag:$0x4], $0x1A00, $0x38;
	[tilespmem:$0x1A400] =	vst v63  }
0x141: {  	s28 =	sadd.s32 s24, s11;
	s29 =	sld [smem:$0x7FD]  }
0x142: {  	[hbm4b:s28+s3] =	stream.linear.scatter [tilespmem:s26], [sflag:$0x4], $0x1A00, $0x38;
	[tilespmem:$0x1A400] =	vst v63  }
0x143: {  	s30 =	sadd.s32 s24, s30  }
0x144: {  	[hbm4b:s30+s3] =	stream.linear.scatter [tilespmem:s29], [sflag:$0x4], $0x1A00, $0x38;
	[tilespmem:$0x1A400] =	vst v63  }
0x145: {  	_ =	swait.ge [sflag:s22], $0x1A00  }
0x146: {  	[sflag:s22] =	ssyncset.done $0x0  }
0x147: {  	[sflag:s22] =	ssyncadd.s32 $0xFFFFE600  }
0x148: {  	_ =	swait.ge [sflag:s22], $0x1A00  }
0x149: {  	[sflag:s22] =	ssyncset.done $0x0  }
0x14a: {  	[sflag:s22] =	ssyncadd.s32 $0xFFFFE600  }
0x14b: {  	_ =	swait.ge [sflag:s22], $0x1A00  }
0x14c: {  	[sflag:s22] =	ssyncset.done $0x0  }
0x14d: {  	[sflag:s22] =	ssyncadd.s32 $0xFFFFE600  }
0x14e: {  	_ =	swait.ge [sflag:s22], $0x1A00  }
0x14f: {  	[sflag:s22] =	ssyncset.done $0x0  }
0x150: {  	[sflag:s22] =	ssyncadd.s32 $0xFFFFE600  }
0x151: {  	_ =	swait.ge [sflag:s22], $0x1A00  }
0x152: {  	[sflag:s22] =	ssyncset.done $0x0  }
0x153: {  	[sflag:s22] =	ssyncadd.s32 $0xFFFFE600  }
0x154: {  	_ =	swait.ge [sflag:s22], $0x1A00  }
0x155: {  	[sflag:s22] =	ssyncset.done $0x0  }
0x156: {  	[sflag:s22] =	ssyncadd.s32 $0xFFFFE600  }
0x157: {  	_ =	swait.ge [sflag:s22], $0x1A00  }
0x158: {  	[sflag:s22] =	ssyncset.done $0x0  }
0x159: {  	[sflag:s22] =	ssyncadd.s32 $0xFFFFE600  }
0x15a: {  	_ =	swait.ge [sflag:s22], $0x1A00  }
0x15b: {  	s31 =	sld [smem:$0x7FA];
	_ =	sdelay $0x1  }
0x15c: {  	s23 =	sadd.s32 $0x1, s23  }
0x15d: {  	p0 =	sne.s32 s23, s31  }
.Ltmp1:
0x15e: {  	_ = 	snop;
	(pc) =	sbr.rel @p0 .LBB2_1-.Ltmp1, $3  }
0x15f: {  	_ =	sdelay $0x1  }
0x160: {  	[sflag:s22] =	ssyncset.done $0x0  }
0x161: {  	[sflag:s22] =	ssyncadd.s32 $0xFFFFE600  }
0x162: {  	_ =	sfence.sel $0x180000  }
0x163: {  	[bflag:$0x0] =	sbarrier.arrive $0xFFFF  }
0x164: {  	_ =	strace $0x90000047  }
0x165: {  	s0 =	stileid.u32;
	[bflag:$0x2] =	sbarrier.arrive $0xFFFF  }
0x166: {  	p0 =	sne.s32 s0, $0x0;
	s0 =	rddreg [dreg:$0x2]  }
0x167: {  	s0 =	sadd.s32 @!p0 $0x100000, s0  }
0x168: {  	[sflag:s0] =	ssyncadd.tile.s32 @!p0 $0x1;
	_ =	shalt  }
.Lfunc_end2:
_tile_overlayer_lowered:
.L_overlay_start_2:
0x169: {  	(tag) =	ssettag $0x2  }
0x16a: {  	s0 =	rddreg [dreg:$0x0];
	s2 =	stileid.u32  }
0x16b: {  	s1 =	rddreg [dreg:$0x1];
	p0 =	sne.s32 s2, $0x0  }
0x16c: {  	s3 =	rddreg [dreg:$0x2];
	[bflag:$0x3] =	sbarrier.arrive $0xFFFF;
	s2 =	simm.s32 @!p0 $0x1C05  }
0x16d: {  	[timem:s3], [sflag:s2] =	dma.local @!p0 [hbm:s0], s1  }
0x16e: {  	s0 =	simm.s32 @!p0 $0x5  }
0x16f: {  	_ =	swait.ge @!p0 [sflag:s0], s1  }
0x170: {  	s1 =	ssub.s32 @!p0 $0x0, s1;
	[sflag:s0] =	ssyncset.done @!p0 $0x0  }
0x171: {  	[sflag:s0] =	ssyncadd.s32 @!p0 s1  }
0x172: {  	[bflag:$0x3] =	sbarrier.arrive $0xFFFF  }
0x173: {  	_ =	shalt  }

</sc_bundles>
